<compile_context>
chip_gen: v7x
topology: tpu7x:2x2x1
jax: 0.10.2.dev20260603
libtpu: 0.0.44.dev20260713+nightly
codegen_flags: <defaults>
</compile_context>

<pallas_src>
import functools
import math
import jax
import jax.numpy as jnp
from jax import lax
from jax.experimental import pallas as pl
from jax.experimental.pallas import tpu as pltpu
from jax.experimental.pallas import tpu_sc as plsc

_BR = 1024
_NW = 32
_GC = 128


def _mm_body(w_ref, x_ref, m_ref, colsq_ref):
    i = pl.program_id(0)

    @pl.when(i == 0)
    def _init():
        m_ref[...] = jnp.zeros_like(m_ref)
        colsq_ref[...] = jnp.zeros_like(colsq_ref)

    xb = x_ref[...]
    wb = w_ref[...]
    m_ref[...] += lax.dot_general(
        wb, xb, (((0,), (0,)), ((), ())), preferred_element_type=jnp.float32)
    colsq_ref[...] += jnp.sum(xb * xb, axis=0)[None, :]


def _head_body(m_ref, colsq_ref, losses_ref, wlast_ref, b1_ref, w2t_ref,
               b2_ref, v_ref):
    s = jnp.sum(jnp.sqrt(colsq_ref[...]))
    pre = m_ref[...] / s + wlast_ref[...] * losses_ref[...] + b1_ref[...]
    hsum = jnp.sum(jnp.tanh(pre), axis=1)[None, :]
    v = lax.dot_general(
        hsum, w2t_ref[...], (((1,), (0,)), ((), ())),
        preferred_element_type=jnp.float32) + b2_ref[...]
    v_ref[...] = v * s


def _sc_gather_rows(table, idx):
    V, D = table.shape
    B = idx.shape[0]
    bpw = B // _NW
    mesh = plsc.VectorSubcoreMesh(core_axis_name="c", subcore_axis_name="s")

    @functools.partial(
        pl.kernel, mesh=mesh,
        out_type=jax.ShapeDtypeStruct((B, D), jnp.float32),
        compiler_params=pltpu.CompilerParams(use_tc_tiling_on_sc=False),
        scratch_types=[
            pltpu.VMEM((bpw,), jnp.int32),
            pltpu.VMEM((bpw, D), jnp.float32),
            pltpu.SemaphoreType.DMA,
        ],
    )
    def k(table_hbm, idx_hbm, out_hbm, idx_v, rows_v, sem):
        wid = lax.axis_index("s") * 2 + lax.axis_index("c")
        base = wid * bpw
        pltpu.sync_copy(idx_hbm.at[pl.ds(base, bpw)], idx_v)
        handles = []
        for c in range(bpw // _GC):
            handles.append(pltpu.async_copy(
                table_hbm.at[idx_v.at[pl.ds(c * _GC, _GC)]],
                rows_v.at[pl.ds(c * _GC, _GC)], sem))
        for h in handles:
            h.wait()
        pltpu.sync_copy(rows_v, out_hbm.at[pl.ds(base, bpw)])

    return k(table, idx)


def _sc_gather_elems(vec, idx):
    B = idx.shape[0]
    bpw = B // _NW
    mesh = plsc.VectorSubcoreMesh(core_axis_name="c", subcore_axis_name="s")

    @functools.partial(
        pl.kernel, mesh=mesh,
        out_type=jax.ShapeDtypeStruct((B,), jnp.float32),
        scratch_types=[
            pltpu.VMEM((bpw,), jnp.int32),
            pltpu.VMEM((bpw,), jnp.float32),
            pltpu.SemaphoreType.DMA,
        ],
    )
    def k(vec_hbm, idx_hbm, out_hbm, idx_v, vals_v, sem):
        wid = lax.axis_index("s") * 2 + lax.axis_index("c")
        base = wid * bpw
        pltpu.sync_copy(idx_hbm.at[pl.ds(base, bpw)], idx_v)
        handles = []
        for c in range(bpw // _GC):
            handles.append(pltpu.async_copy(
                vec_hbm.at[idx_v.at[pl.ds(c * _GC, _GC)]],
                vals_v.at[pl.ds(c * _GC, _GC)], sem))
        for h in handles:
            h.wait()
        pltpu.sync_copy(vals_v, out_hbm.at[pl.ds(base, bpw)])

    return k(vec, idx)


def kernel(points_rel, losses, W1, b1, W2, b2):
    N, T = points_rel.shape
    H = W1.shape[0]
    n_top = math.ceil(N * 0.5)
    n_bottom = N - n_top
    nblk = N // _BR

    var = jnp.var(points_rel, axis=1, ddof=1)
    u = jnp.argsort(-var)
    rank = jnp.zeros((N,), jnp.int32).at[u].set(
        jnp.arange(N, dtype=jnp.int32), unique_indices=True)
    pos = (rank + n_bottom) % N

    W1T = W1.T
    W1g = _sc_gather_rows(W1T[:N], pos)

    m, colsq = pl.pallas_call(
        _mm_body,
        grid=(nblk,),
        in_specs=[
            pl.BlockSpec((_BR, H), lambda i: (i, 0)),
            pl.BlockSpec((_BR, T), lambda i: (i, 0)),
        ],
        out_specs=[
            pl.BlockSpec((H, T), lambda i: (0, 0)),
            pl.BlockSpec((1, T), lambda i: (0, 0)),
        ],
        out_shape=[
            jax.ShapeDtypeStruct((H, T), jnp.float32),
            jax.ShapeDtypeStruct((1, T), jnp.float32),
        ],
    )(W1g, points_rel)

    ins = (m, colsq, losses.reshape(1, T), W1T[N].reshape(H, 1),
           b1.reshape(H, 1), W2.T, b2.reshape(1, N))
    v = pl.pallas_call(
        _head_body,
        in_specs=[pl.BlockSpec(x.shape, lambda: tuple(0 for _ in x.shape))
                  for x in ins],
        out_specs=pl.BlockSpec((1, N), lambda: (0, 0)),
        out_shape=jax.ShapeDtypeStruct((1, N), jnp.float32),
    )(*ins)

    out = _sc_gather_elems(v[0], rank)
    return out[:, None]

# --- scband reference (transcript-rebuilt; emitter-appended) ---
"""Pipeline reference for scband-coord-var-aware-step-predictor-1254130450675 (READ-ONLY COPY).

The authoritative reference and input builder live on the scoring server;
editing this copy changes nothing except your own understanding.
"""

import jax, jax.numpy as jnp
import numpy as np
import math

HIDDEN_SZ = 32
N_COORD = 32768
TOP_RATIO = 0.5
N_TOP = math.ceil(N_COORD * TOP_RATIO)
N_BOTTOM = N_COORD - N_TOP
T = 2048


def setup_inputs(seed: int = 0) -> dict:
    key = jax.random.key(seed)
    k1, k2, k3, k4, k5, k6 = jax.random.split(key, 6)
    points_rel = jax.random.normal(k1, (N_COORD, T), dtype=jnp.float32)
    losses = jax.random.uniform(k2, (T,), dtype=jnp.float32)
    bound1 = 1.0 / np.sqrt(N_COORD + 1)
    W1 = jax.random.uniform(k3, (HIDDEN_SZ, N_COORD + 1), minval=-bound1, maxval=bound1, dtype=jnp.float32)
    b1 = jax.random.uniform(k4, (HIDDEN_SZ,), minval=-bound1, maxval=bound1, dtype=jnp.float32)
    bound2 = 1.0 / np.sqrt(HIDDEN_SZ)
    W2 = jax.random.uniform(k5, (N_COORD, HIDDEN_SZ), minval=-bound2, maxval=bound2, dtype=jnp.float32)
    b2 = jax.random.uniform(k6, (N_COORD,), minval=-bound2, maxval=bound2, dtype=jnp.float32)
    return {"points_rel": points_rel, "losses": losses, "W1": W1, "b1": b1, "W2": W2, "b2": b2}


def reference(points_rel, losses, W1, b1, W2, b2):
    # variance per coordinate over steps (torch default: unbiased, ddof=1)
    coord_var = jnp.var(points_rel, axis=1, ddof=1)
    # sort descending -> indices
    update_id = jnp.argsort(-coord_var)
    # NOTE: faithful to original (index_select with update_id[n_top:] and update_id[:-n_bottom])
    coord_top = jnp.take(points_rel, update_id[N_TOP:], axis=0)
    coord_bottom = jnp.take(points_rel, update_id[:-N_BOTTOM], axis=0)
    coord_sampled = jnp.concatenate([coord_top, coord_bottom], axis=0)
    coord_norm_sum = jax.lax.stop_gradient(
        jnp.sum(jnp.sqrt(jnp.sum(coord_sampled ** 2, axis=0))))
    coord_normal = coord_sampled / coord_norm_sum
    coordwise_inp = jnp.concatenate([coord_normal, losses.reshape(1, -1)], axis=0).T  # [T, N_COORD+1]
    coordwise_h = jnp.tanh(coordwise_inp @ W1.T + b1)  # [T, HIDDEN_SZ]
    update_selected = coordwise_h.sum(axis=0) @ W2.T + b2  # [N_COORD]
    update_all = jnp.zeros((points_rel.shape[0], 1), dtype=points_rel.dtype)
    update_all = update_all.at[update_id].add(update_selected[:, None])
    update_all = update_all * coord_norm_sum
    return update_all

if __name__ == "__main__":
    import jax
    _d = setup_inputs()
    print(jax.jit(kernel)(*tuple(_d.values())))

</pallas_src>

<mosaic_0001>
#map = affine_map<(d0, d1) -> (0, 0)>
#map1 = affine_map<(d0, d1) -> (0)>
module attributes {stable_mosaic.version = 14 : i64} {
  func.func @k(%arg0: i32, %arg1: i32, %arg2: memref<32768x32xf32, #tpu.memory_space<hbm>>, %arg3: memref<32768xi32, #tpu.memory_space<hbm>>, %arg4: memref<32768x32xf32, #tpu.memory_space<hbm>>, %arg5: memref<1024xi32, #tpu.memory_space<vmem>>, %arg6: memref<1024x32xf32, #tpu.memory_space<vmem>>, %arg7: memref<!tpu.dma_semaphore, #tpu.memory_space<semaphore_mem>>) attributes {dimension_semantics = [#tpu.dimension_semantics<core_parallel>, #tpu.dimension_semantics<subcore_parallel>], iteration_bounds = array<i64: 2, 16>, scalar_prefetch = 0 : i64, scratch_operands = 3 : i64, tpu.core_type = #tpu.core_type<sc_vector_subcore>, window_params = [{transform_indices = #map}, {transform_indices = #map1}, {transform_indices = #map}]} {
    %mul3A = arith.constant 2 : i32
    %mul3A_0 = arith.muli %arg1, %mul3A : i32
    %add3A = arith.addi %mul3A_0, %arg0 : i32
    %mul3A_1 = arith.constant 1024 : i32
    %mul3A_2 = arith.muli %add3A, %mul3A_1 : i32
    "tpu.region"() ({
      %run_scoped3A = tpu.sem_alloc : memref<!tpu.dma_semaphore, #tpu.memory_space<semaphore_mem>>
      %dma_start3A_129 = tpu.memref_slice %arg3[%mul3A_2] : memref<32768xi32, #tpu.memory_space<hbm>> -> memref<1024xi32, #tpu.memory_space<hbm>>
      %dma_start3A_130 = tpu.memref_slice %arg3[%mul3A_2] : memref<32768xi32, #tpu.memory_space<hbm>> -> memref<1024xi32, #tpu.memory_space<hbm>>
      tpu.enqueue_dma source(%dma_start3A_130 : memref<1024xi32, #tpu.memory_space<hbm>>) target(%arg5 : memref<1024xi32, #tpu.memory_space<vmem>>) target_semaphore(%run_scoped3A : memref<!tpu.dma_semaphore, #tpu.memory_space<semaphore_mem>>)
      %dma_wait3A_131 = tpu.memref_slice %arg3[%mul3A_2] : memref<32768xi32, #tpu.memory_space<hbm>> -> memref<1024xi32, #tpu.memory_space<hbm>>
      %dma_wait3A_132 = tpu.memref_slice %arg3[%mul3A_2] : memref<32768xi32, #tpu.memory_space<hbm>> -> memref<1024xi32, #tpu.memory_space<hbm>>
      tpu.wait_dma2 semaphore(%run_scoped3A : memref<!tpu.dma_semaphore, #tpu.memory_space<semaphore_mem>>) src(%dma_wait3A_132 : memref<1024xi32, #tpu.memory_space<hbm>>) dst(%arg5 : memref<1024xi32, #tpu.memory_space<vmem>>)
      tpu.yield
    }) : () -> ()
    %dma_start3A = arith.constant 0 : i32
    %dma_start3A_3 = arith.constant 0 : i32
    %dma_start3A_4 = tpu.memref_slice %arg6[%dma_start3A, %dma_start3A_3] : memref<1024x32xf32, #tpu.memory_space<vmem>> -> memref<128x32xf32, #tpu.memory_space<vmem>>
    %dma_start3A_5 = arith.constant 0 : i32
    %dma_start3A_6 = tpu.memref_slice %arg5[%dma_start3A_5] : memref<1024xi32, #tpu.memory_space<vmem>> -> memref<128xi32, #tpu.memory_space<vmem>>
    %dma_start3A_7 = arith.constant 0 : i32
    %dma_start3A_8 = arith.constant 0 : i32
    %dma_start3A_9 = tpu.memref_slice %arg2[%dma_start3A_7, %dma_start3A_8] : memref<32768x32xf32, #tpu.memory_space<hbm>> -> memref<32768x32xf32, #tpu.memory_space<hbm>>
    tpu.enqueue_indirect_dma source(%dma_start3A_9 : memref<32768x32xf32, #tpu.memory_space<hbm>>) target(%dma_start3A_4 : memref<128x32xf32, #tpu.memory_space<vmem>>) offsets(%dma_start3A_6 : memref<128xi32, #tpu.memory_space<vmem>>) semaphore(%arg7 : memref<!tpu.dma_semaphore, #tpu.memory_space<semaphore_mem>>)
    %dma_start3A_10 = arith.constant 128 : i32
    %dma_start3A_11 = arith.constant 0 : i32
    %dma_start3A_12 = tpu.memref_slice %arg6[%dma_start3A_10, %dma_start3A_11] : memref<1024x32xf32, #tpu.memory_space<vmem>> -> memref<128x32xf32, #tpu.memory_space<vmem>>
    %dma_start3A_13 = arith.constant 128 : i32
    %dma_start3A_14 = tpu.memref_slice %arg5[%dma_start3A_13] : memref<1024xi32, #tpu.memory_space<vmem>> -> memref<128xi32, #tpu.memory_space<vmem>>
    %dma_start3A_15 = arith.constant 0 : i32
    %dma_start3A_16 = arith.constant 0 : i32
    %dma_start3A_17 = tpu.memref_slice %arg2[%dma_start3A_15, %dma_start3A_16] : memref<32768x32xf32, #tpu.memory_space<hbm>> -> memref<32768x32xf32, #tpu.memory_space<hbm>>
    tpu.enqueue_indirect_dma source(%dma_start3A_17 : memref<32768x32xf32, #tpu.memory_space<hbm>>) target(%dma_start3A_12 : memref<128x32xf32, #tpu.memory_space<vmem>>) offsets(%dma_start3A_14 : memref<128xi32, #tpu.memory_space<vmem>>) semaphore(%arg7 : memref<!tpu.dma_semaphore, #tpu.memory_space<semaphore_mem>>)
    %dma_start3A_18 = arith.constant 256 : i32
    %dma_start3A_19 = arith.constant 0 : i32
    %dma_start3A_20 = tpu.memref_slice %arg6[%dma_start3A_18, %dma_start3A_19] : memref<1024x32xf32, #tpu.memory_space<vmem>> -> memref<128x32xf32, #tpu.memory_space<vmem>>
    %dma_start3A_21 = arith.constant 256 : i32
    %dma_start3A_22 = tpu.memref_slice %arg5[%dma_start3A_21] : memref<1024xi32, #tpu.memory_space<vmem>> -> memref<128xi32, #tpu.memory_space<vmem>>
    %dma_start3A_23 = arith.constant 0 : i32
    %dma_start3A_24 = arith.constant 0 : i32
    %dma_start3A_25 = tpu.memref_slice %arg2[%dma_start3A_23, %dma_start3A_24] : memref<32768x32xf32, #tpu.memory_space<hbm>> -> memref<32768x32xf32, #tpu.memory_space<hbm>>
    tpu.enqueue_indirect_dma source(%dma_start3A_25 : memref<32768x32xf32, #tpu.memory_space<hbm>>) target(%dma_start3A_20 : memref<128x32xf32, #tpu.memory_space<vmem>>) offsets(%dma_start3A_22 : memref<128xi32, #tpu.memory_space<vmem>>) semaphore(%arg7 : memref<!tpu.dma_semaphore, #tpu.memory_space<semaphore_mem>>)
    %dma_start3A_26 = arith.constant 384 : i32
    %dma_start3A_27 = arith.constant 0 : i32
    %dma_start3A_28 = tpu.memref_slice %arg6[%dma_start3A_26, %dma_start3A_27] : memref<1024x32xf32, #tpu.memory_space<vmem>> -> memref<128x32xf32, #tpu.memory_space<vmem>>
    %dma_start3A_29 = arith.constant 384 : i32
    %dma_start3A_30 = tpu.memref_slice %arg5[%dma_start3A_29] : memref<1024xi32, #tpu.memory_space<vmem>> -> memref<128xi32, #tpu.memory_space<vmem>>
    %dma_start3A_31 = arith.constant 0 : i32
    %dma_start3A_32 = arith.constant 0 : i32
    %dma_start3A_33 = tpu.memref_slice %arg2[%dma_start3A_31, %dma_start3A_32] : memref<32768x32xf32, #tpu.memory_space<hbm>> -> memref<32768x32xf32, #tpu.memory_space<hbm>>
    tpu.enqueue_indirect_dma source(%dma_start3A_33 : memref<32768x32xf32, #tpu.memory_space<hbm>>) target(%dma_start3A_28 : memref<128x32xf32, #tpu.memory_space<vmem>>) offsets(%dma_start3A_30 : memref<128xi32, #tpu.memory_space<vmem>>) semaphore(%arg7 : memref<!tpu.dma_semaphore, #tpu.memory_space<semaphore_mem>>)
    %dma_start3A_34 = arith.constant 512 : i32
    %dma_start3A_35 = arith.constant 0 : i32
    %dma_start3A_36 = tpu.memref_slice %arg6[%dma_start3A_34, %dma_start3A_35] : memref<1024x32xf32, #tpu.memory_space<vmem>> -> memref<128x32xf32, #tpu.memory_space<vmem>>
    %dma_start3A_37 = arith.constant 512 : i32
    %dma_start3A_38 = tpu.memref_slice %arg5[%dma_start3A_37] : memref<1024xi32, #tpu.memory_space<vmem>> -> memref<128xi32, #tpu.memory_space<vmem>>
    %dma_start3A_39 = arith.constant 0 : i32
    %dma_start3A_40 = arith.constant 0 : i32
    %dma_start3A_41 = tpu.memref_slice %arg2[%dma_start3A_39, %dma_start3A_40] : memref<32768x32xf32, #tpu.memory_space<hbm>> -> memref<32768x32xf32, #tpu.memory_space<hbm>>
    tpu.enqueue_indirect_dma source(%dma_start3A_41 : memref<32768x32xf32, #tpu.memory_space<hbm>>) target(%dma_start3A_36 : memref<128x32xf32, #tpu.memory_space<vmem>>) offsets(%dma_start3A_38 : memref<128xi32, #tpu.memory_space<vmem>>) semaphore(%arg7 : memref<!tpu.dma_semaphore, #tpu.memory_space<semaphore_mem>>)
    %dma_start3A_42 = arith.constant 640 : i32
    %dma_start3A_43 = arith.constant 0 : i32
    %dma_start3A_44 = tpu.memref_slice %arg6[%dma_start3A_42, %dma_start3A_43] : memref<1024x32xf32, #tpu.memory_space<vmem>> -> memref<128x32xf32, #tpu.memory_space<vmem>>
    %dma_start3A_45 = arith.constant 640 : i32
    %dma_start3A_46 = tpu.memref_slice %arg5[%dma_start3A_45] : memref<1024xi32, #tpu.memory_space<vmem>> -> memref<128xi32, #tpu.memory_space<vmem>>
    %dma_start3A_47 = arith.constant 0 : i32
    %dma_start3A_48 = arith.constant 0 : i32
    %dma_start3A_49 = tpu.memref_slice %arg2[%dma_start3A_47, %dma_start3A_48] : memref<32768x32xf32, #tpu.memory_space<hbm>> -> memref<32768x32xf32, #tpu.memory_space<hbm>>
    tpu.enqueue_indirect_dma source(%dma_start3A_49 : memref<32768x32xf32, #tpu.memory_space<hbm>>) target(%dma_start3A_44 : memref<128x32xf32, #tpu.memory_space<vmem>>) offsets(%dma_start3A_46 : memref<128xi32, #tpu.memory_space<vmem>>) semaphore(%arg7 : memref<!tpu.dma_semaphore, #tpu.memory_space<semaphore_mem>>)
    %dma_start3A_50 = arith.constant 768 : i32
    %dma_start3A_51 = arith.constant 0 : i32
    %dma_start3A_52 = tpu.memref_slice %arg6[%dma_start3A_50, %dma_start3A_51] : memref<1024x32xf32, #tpu.memory_space<vmem>> -> memref<128x32xf32, #tpu.memory_space<vmem>>
    %dma_start3A_53 = arith.constant 768 : i32
    %dma_start3A_54 = tpu.memref_slice %arg5[%dma_start3A_53] : memref<1024xi32, #tpu.memory_space<vmem>> -> memref<128xi32, #tpu.memory_space<vmem>>
    %dma_start3A_55 = arith.constant 0 : i32
    %dma_start3A_56 = arith.constant 0 : i32
    %dma_start3A_57 = tpu.memref_slice %arg2[%dma_start3A_55, %dma_start3A_56] : memref<32768x32xf32, #tpu.memory_space<hbm>> -> memref<32768x32xf32, #tpu.memory_space<hbm>>
    tpu.enqueue_indirect_dma source(%dma_start3A_57 : memref<32768x32xf32, #tpu.memory_space<hbm>>) target(%dma_start3A_52 : memref<128x32xf32, #tpu.memory_space<vmem>>) offsets(%dma_start3A_54 : memref<128xi32, #tpu.memory_space<vmem>>) semaphore(%arg7 : memref<!tpu.dma_semaphore, #tpu.memory_space<semaphore_mem>>)
    %dma_start3A_58 = arith.constant 896 : i32
    %dma_start3A_59 = arith.constant 0 : i32
    %dma_start3A_60 = tpu.memref_slice %arg6[%dma_start3A_58, %dma_start3A_59] : memref<1024x32xf32, #tpu.memory_space<vmem>> -> memref<128x32xf32, #tpu.memory_space<vmem>>
    %dma_start3A_61 = arith.constant 896 : i32
    %dma_start3A_62 = tpu.memref_slice %arg5[%dma_start3A_61] : memref<1024xi32, #tpu.memory_space<vmem>> -> memref<128xi32, #tpu.memory_space<vmem>>
    %dma_start3A_63 = arith.constant 0 : i32
    %dma_start3A_64 = arith.constant 0 : i32
    %dma_start3A_65 = tpu.memref_slice %arg2[%dma_start3A_63, %dma_start3A_64] : memref<32768x32xf32, #tpu.memory_space<hbm>> -> memref<32768x32xf32, #tpu.memory_space<hbm>>
    tpu.enqueue_indirect_dma source(%dma_start3A_65 : memref<32768x32xf32, #tpu.memory_space<hbm>>) target(%dma_start3A_60 : memref<128x32xf32, #tpu.memory_space<vmem>>) offsets(%dma_start3A_62 : memref<128xi32, #tpu.memory_space<vmem>>) semaphore(%arg7 : memref<!tpu.dma_semaphore, #tpu.memory_space<semaphore_mem>>)
    %dma_wait3A = arith.constant 0 : i32
    %dma_wait3A_66 = arith.constant 0 : i32
    %dma_wait3A_67 = tpu.memref_slice %arg6[%dma_wait3A, %dma_wait3A_66] : memref<1024x32xf32, #tpu.memory_space<vmem>> -> memref<128x32xf32, #tpu.memory_space<vmem>>
    %dma_wait3A_68 = arith.constant 0 : i32
    %dma_wait3A_69 = tpu.memref_slice %arg5[%dma_wait3A_68] : memref<1024xi32, #tpu.memory_space<vmem>> -> memref<128xi32, #tpu.memory_space<vmem>>
    %dma_wait3A_70 = arith.constant 0 : i32
    %dma_wait3A_71 = arith.constant 0 : i32
    %dma_wait3A_72 = tpu.memref_slice %arg2[%dma_wait3A_70, %dma_wait3A_71] : memref<32768x32xf32, #tpu.memory_space<hbm>> -> memref<32768x32xf32, #tpu.memory_space<hbm>>
    tpu.wait_indirect_dma semaphore(%arg7 : memref<!tpu.dma_semaphore, #tpu.memory_space<semaphore_mem>>) src(%dma_wait3A_72 : memref<32768x32xf32, #tpu.memory_space<hbm>>) dst(%dma_wait3A_67 : memref<128x32xf32, #tpu.memory_space<vmem>>)
    %dma_wait3A_73 = arith.constant 128 : i32
    %dma_wait3A_74 = arith.constant 0 : i32
    %dma_wait3A_75 = tpu.memref_slice %arg6[%dma_wait3A_73, %dma_wait3A_74] : memref<1024x32xf32, #tpu.memory_space<vmem>> -> memref<128x32xf32, #tpu.memory_space<vmem>>
    %dma_wait3A_76 = arith.constant 128 : i32
    %dma_wait3A_77 = tpu.memref_slice %arg5[%dma_wait3A_76] : memref<1024xi32, #tpu.memory_space<vmem>> -> memref<128xi32, #tpu.memory_space<vmem>>
    %dma_wait3A_78 = arith.constant 0 : i32
    %dma_wait3A_79 = arith.constant 0 : i32
    %dma_wait3A_80 = tpu.memref_slice %arg2[%dma_wait3A_78, %dma_wait3A_79] : memref<32768x32xf32, #tpu.memory_space<hbm>> -> memref<32768x32xf32, #tpu.memory_space<hbm>>
    tpu.wait_indirect_dma semaphore(%arg7 : memref<!tpu.dma_semaphore, #tpu.memory_space<semaphore_mem>>) src(%dma_wait3A_80 : memref<32768x32xf32, #tpu.memory_space<hbm>>) dst(%dma_wait3A_75 : memref<128x32xf32, #tpu.memory_space<vmem>>)
    %dma_wait3A_81 = arith.constant 256 : i32
    %dma_wait3A_82 = arith.constant 0 : i32
    %dma_wait3A_83 = tpu.memref_slice %arg6[%dma_wait3A_81, %dma_wait3A_82] : memref<1024x32xf32, #tpu.memory_space<vmem>> -> memref<128x32xf32, #tpu.memory_space<vmem>>
    %dma_wait3A_84 = arith.constant 256 : i32
    %dma_wait3A_85 = tpu.memref_slice %arg5[%dma_wait3A_84] : memref<1024xi32, #tpu.memory_space<vmem>> -> memref<128xi32, #tpu.memory_space<vmem>>
    %dma_wait3A_86 = arith.constant 0 : i32
    %dma_wait3A_87 = arith.constant 0 : i32
    %dma_wait3A_88 = tpu.memref_slice %arg2[%dma_wait3A_86, %dma_wait3A_87] : memref<32768x32xf32, #tpu.memory_space<hbm>> -> memref<32768x32xf32, #tpu.memory_space<hbm>>
    tpu.wait_indirect_dma semaphore(%arg7 : memref<!tpu.dma_semaphore, #tpu.memory_space<semaphore_mem>>) src(%dma_wait3A_88 : memref<32768x32xf32, #tpu.memory_space<hbm>>) dst(%dma_wait3A_83 : memref<128x32xf32, #tpu.memory_space<vmem>>)
    %dma_wait3A_89 = arith.constant 384 : i32
    %dma_wait3A_90 = arith.constant 0 : i32
    %dma_wait3A_91 = tpu.memref_slice %arg6[%dma_wait3A_89, %dma_wait3A_90] : memref<1024x32xf32, #tpu.memory_space<vmem>> -> memref<128x32xf32, #tpu.memory_space<vmem>>
    %dma_wait3A_92 = arith.constant 384 : i32
    %dma_wait3A_93 = tpu.memref_slice %arg5[%dma_wait3A_92] : memref<1024xi32, #tpu.memory_space<vmem>> -> memref<128xi32, #tpu.memory_space<vmem>>
    %dma_wait3A_94 = arith.constant 0 : i32
    %dma_wait3A_95 = arith.constant 0 : i32
    %dma_wait3A_96 = tpu.memref_slice %arg2[%dma_wait3A_94, %dma_wait3A_95] : memref<32768x32xf32, #tpu.memory_space<hbm>> -> memref<32768x32xf32, #tpu.memory_space<hbm>>
    tpu.wait_indirect_dma semaphore(%arg7 : memref<!tpu.dma_semaphore, #tpu.memory_space<semaphore_mem>>) src(%dma_wait3A_96 : memref<32768x32xf32, #tpu.memory_space<hbm>>) dst(%dma_wait3A_91 : memref<128x32xf32, #tpu.memory_space<vmem>>)
    %dma_wait3A_97 = arith.constant 512 : i32
    %dma_wait3A_98 = arith.constant 0 : i32
    %dma_wait3A_99 = tpu.memref_slice %arg6[%dma_wait3A_97, %dma_wait3A_98] : memref<1024x32xf32, #tpu.memory_space<vmem>> -> memref<128x32xf32, #tpu.memory_space<vmem>>
    %dma_wait3A_100 = arith.constant 512 : i32
    %dma_wait3A_101 = tpu.memref_slice %arg5[%dma_wait3A_100] : memref<1024xi32, #tpu.memory_space<vmem>> -> memref<128xi32, #tpu.memory_space<vmem>>
    %dma_wait3A_102 = arith.constant 0 : i32
    %dma_wait3A_103 = arith.constant 0 : i32
    %dma_wait3A_104 = tpu.memref_slice %arg2[%dma_wait3A_102, %dma_wait3A_103] : memref<32768x32xf32, #tpu.memory_space<hbm>> -> memref<32768x32xf32, #tpu.memory_space<hbm>>
    tpu.wait_indirect_dma semaphore(%arg7 : memref<!tpu.dma_semaphore, #tpu.memory_space<semaphore_mem>>) src(%dma_wait3A_104 : memref<32768x32xf32, #tpu.memory_space<hbm>>) dst(%dma_wait3A_99 : memref<128x32xf32, #tpu.memory_space<vmem>>)
    %dma_wait3A_105 = arith.constant 640 : i32
    %dma_wait3A_106 = arith.constant 0 : i32
    %dma_wait3A_107 = tpu.memref_slice %arg6[%dma_wait3A_105, %dma_wait3A_106] : memref<1024x32xf32, #tpu.memory_space<vmem>> -> memref<128x32xf32, #tpu.memory_space<vmem>>
    %dma_wait3A_108 = arith.constant 640 : i32
    %dma_wait3A_109 = tpu.memref_slice %arg5[%dma_wait3A_108] : memref<1024xi32, #tpu.memory_space<vmem>> -> memref<128xi32, #tpu.memory_space<vmem>>
    %dma_wait3A_110 = arith.constant 0 : i32
    %dma_wait3A_111 = arith.constant 0 : i32
    %dma_wait3A_112 = tpu.memref_slice %arg2[%dma_wait3A_110, %dma_wait3A_111] : memref<32768x32xf32, #tpu.memory_space<hbm>> -> memref<32768x32xf32, #tpu.memory_space<hbm>>
    tpu.wait_indirect_dma semaphore(%arg7 : memref<!tpu.dma_semaphore, #tpu.memory_space<semaphore_mem>>) src(%dma_wait3A_112 : memref<32768x32xf32, #tpu.memory_space<hbm>>) dst(%dma_wait3A_107 : memref<128x32xf32, #tpu.memory_space<vmem>>)
    %dma_wait3A_113 = arith.constant 768 : i32
    %dma_wait3A_114 = arith.constant 0 : i32
    %dma_wait3A_115 = tpu.memref_slice %arg6[%dma_wait3A_113, %dma_wait3A_114] : memref<1024x32xf32, #tpu.memory_space<vmem>> -> memref<128x32xf32, #tpu.memory_space<vmem>>
    %dma_wait3A_116 = arith.constant 768 : i32
    %dma_wait3A_117 = tpu.memref_slice %arg5[%dma_wait3A_116] : memref<1024xi32, #tpu.memory_space<vmem>> -> memref<128xi32, #tpu.memory_space<vmem>>
    %dma_wait3A_118 = arith.constant 0 : i32
    %dma_wait3A_119 = arith.constant 0 : i32
    %dma_wait3A_120 = tpu.memref_slice %arg2[%dma_wait3A_118, %dma_wait3A_119] : memref<32768x32xf32, #tpu.memory_space<hbm>> -> memref<32768x32xf32, #tpu.memory_space<hbm>>
    tpu.wait_indirect_dma semaphore(%arg7 : memref<!tpu.dma_semaphore, #tpu.memory_space<semaphore_mem>>) src(%dma_wait3A_120 : memref<32768x32xf32, #tpu.memory_space<hbm>>) dst(%dma_wait3A_115 : memref<128x32xf32, #tpu.memory_space<vmem>>)
    %dma_wait3A_121 = arith.constant 896 : i32
    %dma_wait3A_122 = arith.constant 0 : i32
    %dma_wait3A_123 = tpu.memref_slice %arg6[%dma_wait3A_121, %dma_wait3A_122] : memref<1024x32xf32, #tpu.memory_space<vmem>> -> memref<128x32xf32, #tpu.memory_space<vmem>>
    %dma_wait3A_124 = arith.constant 896 : i32
    %dma_wait3A_125 = tpu.memref_slice %arg5[%dma_wait3A_124] : memref<1024xi32, #tpu.memory_space<vmem>> -> memref<128xi32, #tpu.memory_space<vmem>>
    %dma_wait3A_126 = arith.constant 0 : i32
    %dma_wait3A_127 = arith.constant 0 : i32
    %dma_wait3A_128 = tpu.memref_slice %arg2[%dma_wait3A_126, %dma_wait3A_127] : memref<32768x32xf32, #tpu.memory_space<hbm>> -> memref<32768x32xf32, #tpu.memory_space<hbm>>
    tpu.wait_indirect_dma semaphore(%arg7 : memref<!tpu.dma_semaphore, #tpu.memory_space<semaphore_mem>>) src(%dma_wait3A_128 : memref<32768x32xf32, #tpu.memory_space<hbm>>) dst(%dma_wait3A_123 : memref<128x32xf32, #tpu.memory_space<vmem>>)
    "tpu.region"() ({
      %run_scoped3A = tpu.sem_alloc : memref<!tpu.dma_semaphore, #tpu.memory_space<semaphore_mem>>
      %dma_start3A_129 = arith.constant 0 : i32
      %dma_start3A_130 = tpu.memref_slice %arg4[%mul3A_2, %dma_start3A_129] : memref<32768x32xf32, #tpu.memory_space<hbm>> -> memref<1024x32xf32, #tpu.memory_space<hbm>>
      %dma_start3A_131 = arith.constant 0 : i32
      %dma_start3A_132 = tpu.memref_slice %arg4[%mul3A_2, %dma_start3A_131] : memref<32768x32xf32, #tpu.memory_space<hbm>> -> memref<1024x32xf32, #tpu.memory_space<hbm>>
      tpu.enqueue_dma source(%arg6 : memref<1024x32xf32, #tpu.memory_space<vmem>>) target(%dma_start3A_132 : memref<1024x32xf32, #tpu.memory_space<hbm>>) target_semaphore(%run_scoped3A : memref<!tpu.dma_semaphore, #tpu.memory_space<semaphore_mem>>)
      %dma_wait3A_133 = arith.constant 0 : i32
      %dma_wait3A_134 = tpu.memref_slice %arg4[%mul3A_2, %dma_wait3A_133] : memref<32768x32xf32, #tpu.memory_space<hbm>> -> memref<1024x32xf32, #tpu.memory_space<hbm>>
      %dma_wait3A_135 = arith.constant 0 : i32
      %dma_wait3A_136 = tpu.memref_slice %arg4[%mul3A_2, %dma_wait3A_135] : memref<32768x32xf32, #tpu.memory_space<hbm>> -> memref<1024x32xf32, #tpu.memory_space<hbm>>
      tpu.wait_dma2 semaphore(%run_scoped3A : memref<!tpu.dma_semaphore, #tpu.memory_space<semaphore_mem>>) src(%arg6 : memref<1024x32xf32, #tpu.memory_space<vmem>>) dst(%dma_wait3A_136 : memref<1024x32xf32, #tpu.memory_space<hbm>>)
      tpu.yield
    }) : () -> ()
    return
  }
}

#map = affine_map<(d0, d1) -> (0)>
module attributes {stable_mosaic.version = 14 : i64} {
  func.func @k(%arg0: i32, %arg1: i32, %arg2: memref<32768xf32, #tpu.memory_space<hbm>>, %arg3: memref<32768xi32, #tpu.memory_space<hbm>>, %arg4: memref<32768xf32, #tpu.memory_space<hbm>>, %arg5: memref<1024xi32, #tpu.memory_space<vmem>>, %arg6: memref<1024xf32, #tpu.memory_space<vmem>>, %arg7: memref<!tpu.dma_semaphore, #tpu.memory_space<semaphore_mem>>) attributes {dimension_semantics = [#tpu.dimension_semantics<core_parallel>, #tpu.dimension_semantics<subcore_parallel>], iteration_bounds = array<i64: 2, 16>, scalar_prefetch = 0 : i64, scratch_operands = 3 : i64, tpu.core_type = #tpu.core_type<sc_vector_subcore>, window_params = [{transform_indices = #map}, {transform_indices = #map}, {transform_indices = #map}]} {
    %mul3A = arith.constant 2 : i32
    %mul3A_0 = arith.muli %arg1, %mul3A : i32
    %add3A = arith.addi %mul3A_0, %arg0 : i32
    %mul3A_1 = arith.constant 1024 : i32
    %mul3A_2 = arith.muli %add3A, %mul3A_1 : i32
    "tpu.region"() ({
      %run_scoped3A = tpu.sem_alloc : memref<!tpu.dma_semaphore, #tpu.memory_space<semaphore_mem>>
      %dma_start3A_97 = tpu.memref_slice %arg3[%mul3A_2] : memref<32768xi32, #tpu.memory_space<hbm>> -> memref<1024xi32, #tpu.memory_space<hbm>>
      %dma_start3A_98 = tpu.memref_slice %arg3[%mul3A_2] : memref<32768xi32, #tpu.memory_space<hbm>> -> memref<1024xi32, #tpu.memory_space<hbm>>
      tpu.enqueue_dma source(%dma_start3A_98 : memref<1024xi32, #tpu.memory_space<hbm>>) target(%arg5 : memref<1024xi32, #tpu.memory_space<vmem>>) target_semaphore(%run_scoped3A : memref<!tpu.dma_semaphore, #tpu.memory_space<semaphore_mem>>)
      %dma_wait3A_99 = tpu.memref_slice %arg3[%mul3A_2] : memref<32768xi32, #tpu.memory_space<hbm>> -> memref<1024xi32, #tpu.memory_space<hbm>>
      %dma_wait3A_100 = tpu.memref_slice %arg3[%mul3A_2] : memref<32768xi32, #tpu.memory_space<hbm>> -> memref<1024xi32, #tpu.memory_space<hbm>>
      tpu.wait_dma2 semaphore(%run_scoped3A : memref<!tpu.dma_semaphore, #tpu.memory_space<semaphore_mem>>) src(%dma_wait3A_100 : memref<1024xi32, #tpu.memory_space<hbm>>) dst(%arg5 : memref<1024xi32, #tpu.memory_space<vmem>>)
      tpu.yield
    }) : () -> ()
    %dma_start3A = arith.constant 0 : i32
    %dma_start3A_3 = tpu.memref_slice %arg6[%dma_start3A] : memref<1024xf32, #tpu.memory_space<vmem>> -> memref<128xf32, #tpu.memory_space<vmem>>
    %dma_start3A_4 = arith.constant 0 : i32
    %dma_start3A_5 = tpu.memref_slice %arg5[%dma_start3A_4] : memref<1024xi32, #tpu.memory_space<vmem>> -> memref<128xi32, #tpu.memory_space<vmem>>
    %dma_start3A_6 = arith.constant 0 : i32
    %dma_start3A_7 = tpu.memref_slice %arg2[%dma_start3A_6] : memref<32768xf32, #tpu.memory_space<hbm>> -> memref<32768xf32, #tpu.memory_space<hbm>>
    tpu.enqueue_indirect_dma source(%dma_start3A_7 : memref<32768xf32, #tpu.memory_space<hbm>>) target(%dma_start3A_3 : memref<128xf32, #tpu.memory_space<vmem>>) offsets(%dma_start3A_5 : memref<128xi32, #tpu.memory_space<vmem>>) semaphore(%arg7 : memref<!tpu.dma_semaphore, #tpu.memory_space<semaphore_mem>>)
    %dma_start3A_8 = arith.constant 128 : i32
    %dma_start3A_9 = tpu.memref_slice %arg6[%dma_start3A_8] : memref<1024xf32, #tpu.memory_space<vmem>> -> memref<128xf32, #tpu.memory_space<vmem>>
    %dma_start3A_10 = arith.constant 128 : i32
    %dma_start3A_11 = tpu.memref_slice %arg5[%dma_start3A_10] : memref<1024xi32, #tpu.memory_space<vmem>> -> memref<128xi32, #tpu.memory_space<vmem>>
    %dma_start3A_12 = arith.constant 0 : i32
    %dma_start3A_13 = tpu.memref_slice %arg2[%dma_start3A_12] : memref<32768xf32, #tpu.memory_space<hbm>> -> memref<32768xf32, #tpu.memory_space<hbm>>
    tpu.enqueue_indirect_dma source(%dma_start3A_13 : memref<32768xf32, #tpu.memory_space<hbm>>) target(%dma_start3A_9 : memref<128xf32, #tpu.memory_space<vmem>>) offsets(%dma_start3A_11 : memref<128xi32, #tpu.memory_space<vmem>>) semaphore(%arg7 : memref<!tpu.dma_semaphore, #tpu.memory_space<semaphore_mem>>)
    %dma_start3A_14 = arith.constant 256 : i32
    %dma_start3A_15 = tpu.memref_slice %arg6[%dma_start3A_14] : memref<1024xf32, #tpu.memory_space<vmem>> -> memref<128xf32, #tpu.memory_space<vmem>>
    %dma_start3A_16 = arith.constant 256 : i32
    %dma_start3A_17 = tpu.memref_slice %arg5[%dma_start3A_16] : memref<1024xi32, #tpu.memory_space<vmem>> -> memref<128xi32, #tpu.memory_space<vmem>>
    %dma_start3A_18 = arith.constant 0 : i32
    %dma_start3A_19 = tpu.memref_slice %arg2[%dma_start3A_18] : memref<32768xf32, #tpu.memory_space<hbm>> -> memref<32768xf32, #tpu.memory_space<hbm>>
    tpu.enqueue_indirect_dma source(%dma_start3A_19 : memref<32768xf32, #tpu.memory_space<hbm>>) target(%dma_start3A_15 : memref<128xf32, #tpu.memory_space<vmem>>) offsets(%dma_start3A_17 : memref<128xi32, #tpu.memory_space<vmem>>) semaphore(%arg7 : memref<!tpu.dma_semaphore, #tpu.memory_space<semaphore_mem>>)
    %dma_start3A_20 = arith.constant 384 : i32
    %dma_start3A_21 = tpu.memref_slice %arg6[%dma_start3A_20] : memref<1024xf32, #tpu.memory_space<vmem>> -> memref<128xf32, #tpu.memory_space<vmem>>
    %dma_start3A_22 = arith.constant 384 : i32
    %dma_start3A_23 = tpu.memref_slice %arg5[%dma_start3A_22] : memref<1024xi32, #tpu.memory_space<vmem>> -> memref<128xi32, #tpu.memory_space<vmem>>
    %dma_start3A_24 = arith.constant 0 : i32
    %dma_start3A_25 = tpu.memref_slice %arg2[%dma_start3A_24] : memref<32768xf32, #tpu.memory_space<hbm>> -> memref<32768xf32, #tpu.memory_space<hbm>>
    tpu.enqueue_indirect_dma source(%dma_start3A_25 : memref<32768xf32, #tpu.memory_space<hbm>>) target(%dma_start3A_21 : memref<128xf32, #tpu.memory_space<vmem>>) offsets(%dma_start3A_23 : memref<128xi32, #tpu.memory_space<vmem>>) semaphore(%arg7 : memref<!tpu.dma_semaphore, #tpu.memory_space<semaphore_mem>>)
    %dma_start3A_26 = arith.constant 512 : i32
    %dma_start3A_27 = tpu.memref_slice %arg6[%dma_start3A_26] : memref<1024xf32, #tpu.memory_space<vmem>> -> memref<128xf32, #tpu.memory_space<vmem>>
    %dma_start3A_28 = arith.constant 512 : i32
    %dma_start3A_29 = tpu.memref_slice %arg5[%dma_start3A_28] : memref<1024xi32, #tpu.memory_space<vmem>> -> memref<128xi32, #tpu.memory_space<vmem>>
    %dma_start3A_30 = arith.constant 0 : i32
    %dma_start3A_31 = tpu.memref_slice %arg2[%dma_start3A_30] : memref<32768xf32, #tpu.memory_space<hbm>> -> memref<32768xf32, #tpu.memory_space<hbm>>
    tpu.enqueue_indirect_dma source(%dma_start3A_31 : memref<32768xf32, #tpu.memory_space<hbm>>) target(%dma_start3A_27 : memref<128xf32, #tpu.memory_space<vmem>>) offsets(%dma_start3A_29 : memref<128xi32, #tpu.memory_space<vmem>>) semaphore(%arg7 : memref<!tpu.dma_semaphore, #tpu.memory_space<semaphore_mem>>)
    %dma_start3A_32 = arith.constant 640 : i32
    %dma_start3A_33 = tpu.memref_slice %arg6[%dma_start3A_32] : memref<1024xf32, #tpu.memory_space<vmem>> -> memref<128xf32, #tpu.memory_space<vmem>>
    %dma_start3A_34 = arith.constant 640 : i32
    %dma_start3A_35 = tpu.memref_slice %arg5[%dma_start3A_34] : memref<1024xi32, #tpu.memory_space<vmem>> -> memref<128xi32, #tpu.memory_space<vmem>>
    %dma_start3A_36 = arith.constant 0 : i32
    %dma_start3A_37 = tpu.memref_slice %arg2[%dma_start3A_36] : memref<32768xf32, #tpu.memory_space<hbm>> -> memref<32768xf32, #tpu.memory_space<hbm>>
    tpu.enqueue_indirect_dma source(%dma_start3A_37 : memref<32768xf32, #tpu.memory_space<hbm>>) target(%dma_start3A_33 : memref<128xf32, #tpu.memory_space<vmem>>) offsets(%dma_start3A_35 : memref<128xi32, #tpu.memory_space<vmem>>) semaphore(%arg7 : memref<!tpu.dma_semaphore, #tpu.memory_space<semaphore_mem>>)
    %dma_start3A_38 = arith.constant 768 : i32
    %dma_start3A_39 = tpu.memref_slice %arg6[%dma_start3A_38] : memref<1024xf32, #tpu.memory_space<vmem>> -> memref<128xf32, #tpu.memory_space<vmem>>
    %dma_start3A_40 = arith.constant 768 : i32
    %dma_start3A_41 = tpu.memref_slice %arg5[%dma_start3A_40] : memref<1024xi32, #tpu.memory_space<vmem>> -> memref<128xi32, #tpu.memory_space<vmem>>
    %dma_start3A_42 = arith.constant 0 : i32
    %dma_start3A_43 = tpu.memref_slice %arg2[%dma_start3A_42] : memref<32768xf32, #tpu.memory_space<hbm>> -> memref<32768xf32, #tpu.memory_space<hbm>>
    tpu.enqueue_indirect_dma source(%dma_start3A_43 : memref<32768xf32, #tpu.memory_space<hbm>>) target(%dma_start3A_39 : memref<128xf32, #tpu.memory_space<vmem>>) offsets(%dma_start3A_41 : memref<128xi32, #tpu.memory_space<vmem>>) semaphore(%arg7 : memref<!tpu.dma_semaphore, #tpu.memory_space<semaphore_mem>>)
    %dma_start3A_44 = arith.constant 896 : i32
    %dma_start3A_45 = tpu.memref_slice %arg6[%dma_start3A_44] : memref<1024xf32, #tpu.memory_space<vmem>> -> memref<128xf32, #tpu.memory_space<vmem>>
    %dma_start3A_46 = arith.constant 896 : i32
    %dma_start3A_47 = tpu.memref_slice %arg5[%dma_start3A_46] : memref<1024xi32, #tpu.memory_space<vmem>> -> memref<128xi32, #tpu.memory_space<vmem>>
    %dma_start3A_48 = arith.constant 0 : i32
    %dma_start3A_49 = tpu.memref_slice %arg2[%dma_start3A_48] : memref<32768xf32, #tpu.memory_space<hbm>> -> memref<32768xf32, #tpu.memory_space<hbm>>
    tpu.enqueue_indirect_dma source(%dma_start3A_49 : memref<32768xf32, #tpu.memory_space<hbm>>) target(%dma_start3A_45 : memref<128xf32, #tpu.memory_space<vmem>>) offsets(%dma_start3A_47 : memref<128xi32, #tpu.memory_space<vmem>>) semaphore(%arg7 : memref<!tpu.dma_semaphore, #tpu.memory_space<semaphore_mem>>)
    %dma_wait3A = arith.constant 0 : i32
    %dma_wait3A_50 = tpu.memref_slice %arg6[%dma_wait3A] : memref<1024xf32, #tpu.memory_space<vmem>> -> memref<128xf32, #tpu.memory_space<vmem>>
    %dma_wait3A_51 = arith.constant 0 : i32
    %dma_wait3A_52 = tpu.memref_slice %arg5[%dma_wait3A_51] : memref<1024xi32, #tpu.memory_space<vmem>> -> memref<128xi32, #tpu.memory_space<vmem>>
    %dma_wait3A_53 = arith.constant 0 : i32
    %dma_wait3A_54 = tpu.memref_slice %arg2[%dma_wait3A_53] : memref<32768xf32, #tpu.memory_space<hbm>> -> memref<32768xf32, #tpu.memory_space<hbm>>
    tpu.wait_indirect_dma semaphore(%arg7 : memref<!tpu.dma_semaphore, #tpu.memory_space<semaphore_mem>>) src(%dma_wait3A_54 : memref<32768xf32, #tpu.memory_space<hbm>>) dst(%dma_wait3A_50 : memref<128xf32, #tpu.memory_space<vmem>>)
    %dma_wait3A_55 = arith.constant 128 : i32
    %dma_wait3A_56 = tpu.memref_slice %arg6[%dma_wait3A_55] : memref<1024xf32, #tpu.memory_space<vmem>> -> memref<128xf32, #tpu.memory_space<vmem>>
    %dma_wait3A_57 = arith.constant 128 : i32
    %dma_wait3A_58 = tpu.memref_slice %arg5[%dma_wait3A_57] : memref<1024xi32, #tpu.memory_space<vmem>> -> memref<128xi32, #tpu.memory_space<vmem>>
    %dma_wait3A_59 = arith.constant 0 : i32
    %dma_wait3A_60 = tpu.memref_slice %arg2[%dma_wait3A_59] : memref<32768xf32, #tpu.memory_space<hbm>> -> memref<32768xf32, #tpu.memory_space<hbm>>
    tpu.wait_indirect_dma semaphore(%arg7 : memref<!tpu.dma_semaphore, #tpu.memory_space<semaphore_mem>>) src(%dma_wait3A_60 : memref<32768xf32, #tpu.memory_space<hbm>>) dst(%dma_wait3A_56 : memref<128xf32, #tpu.memory_space<vmem>>)
    %dma_wait3A_61 = arith.constant 256 : i32
    %dma_wait3A_62 = tpu.memref_slice %arg6[%dma_wait3A_61] : memref<1024xf32, #tpu.memory_space<vmem>> -> memref<128xf32, #tpu.memory_space<vmem>>
    %dma_wait3A_63 = arith.constant 256 : i32
    %dma_wait3A_64 = tpu.memref_slice %arg5[%dma_wait3A_63] : memref<1024xi32, #tpu.memory_space<vmem>> -> memref<128xi32, #tpu.memory_space<vmem>>
    %dma_wait3A_65 = arith.constant 0 : i32
    %dma_wait3A_66 = tpu.memref_slice %arg2[%dma_wait3A_65] : memref<32768xf32, #tpu.memory_space<hbm>> -> memref<32768xf32, #tpu.memory_space<hbm>>
    tpu.wait_indirect_dma semaphore(%arg7 : memref<!tpu.dma_semaphore, #tpu.memory_space<semaphore_mem>>) src(%dma_wait3A_66 : memref<32768xf32, #tpu.memory_space<hbm>>) dst(%dma_wait3A_62 : memref<128xf32, #tpu.memory_space<vmem>>)
    %dma_wait3A_67 = arith.constant 384 : i32
    %dma_wait3A_68 = tpu.memref_slice %arg6[%dma_wait3A_67] : memref<1024xf32, #tpu.memory_space<vmem>> -> memref<128xf32, #tpu.memory_space<vmem>>
    %dma_wait3A_69 = arith.constant 384 : i32
    %dma_wait3A_70 = tpu.memref_slice %arg5[%dma_wait3A_69] : memref<1024xi32, #tpu.memory_space<vmem>> -> memref<128xi32, #tpu.memory_space<vmem>>
    %dma_wait3A_71 = arith.constant 0 : i32
    %dma_wait3A_72 = tpu.memref_slice %arg2[%dma_wait3A_71] : memref<32768xf32, #tpu.memory_space<hbm>> -> memref<32768xf32, #tpu.memory_space<hbm>>
    tpu.wait_indirect_dma semaphore(%arg7 : memref<!tpu.dma_semaphore, #tpu.memory_space<semaphore_mem>>) src(%dma_wait3A_72 : memref<32768xf32, #tpu.memory_space<hbm>>) dst(%dma_wait3A_68 : memref<128xf32, #tpu.memory_space<vmem>>)
    %dma_wait3A_73 = arith.constant 512 : i32
    %dma_wait3A_74 = tpu.memref_slice %arg6[%dma_wait3A_73] : memref<1024xf32, #tpu.memory_space<vmem>> -> memref<128xf32, #tpu.memory_space<vmem>>
    %dma_wait3A_75 = arith.constant 512 : i32
    %dma_wait3A_76 = tpu.memref_slice %arg5[%dma_wait3A_75] : memref<1024xi32, #tpu.memory_space<vmem>> -> memref<128xi32, #tpu.memory_space<vmem>>
    %dma_wait3A_77 = arith.constant 0 : i32
    %dma_wait3A_78 = tpu.memref_slice %arg2[%dma_wait3A_77] : memref<32768xf32, #tpu.memory_space<hbm>> -> memref<32768xf32, #tpu.memory_space<hbm>>
    tpu.wait_indirect_dma semaphore(%arg7 : memref<!tpu.dma_semaphore, #tpu.memory_space<semaphore_mem>>) src(%dma_wait3A_78 : memref<32768xf32, #tpu.memory_space<hbm>>) dst(%dma_wait3A_74 : memref<128xf32, #tpu.memory_space<vmem>>)
    %dma_wait3A_79 = arith.constant 640 : i32
    %dma_wait3A_80 = tpu.memref_slice %arg6[%dma_wait3A_79] : memref<1024xf32, #tpu.memory_space<vmem>> -> memref<128xf32, #tpu.memory_space<vmem>>
    %dma_wait3A_81 = arith.constant 640 : i32
    %dma_wait3A_82 = tpu.memref_slice %arg5[%dma_wait3A_81] : memref<1024xi32, #tpu.memory_space<vmem>> -> memref<128xi32, #tpu.memory_space<vmem>>
    %dma_wait3A_83 = arith.constant 0 : i32
    %dma_wait3A_84 = tpu.memref_slice %arg2[%dma_wait3A_83] : memref<32768xf32, #tpu.memory_space<hbm>> -> memref<32768xf32, #tpu.memory_space<hbm>>
    tpu.wait_indirect_dma semaphore(%arg7 : memref<!tpu.dma_semaphore, #tpu.memory_space<semaphore_mem>>) src(%dma_wait3A_84 : memref<32768xf32, #tpu.memory_space<hbm>>) dst(%dma_wait3A_80 : memref<128xf32, #tpu.memory_space<vmem>>)
    %dma_wait3A_85 = arith.constant 768 : i32
    %dma_wait3A_86 = tpu.memref_slice %arg6[%dma_wait3A_85] : memref<1024xf32, #tpu.memory_space<vmem>> -> memref<128xf32, #tpu.memory_space<vmem>>
    %dma_wait3A_87 = arith.constant 768 : i32
    %dma_wait3A_88 = tpu.memref_slice %arg5[%dma_wait3A_87] : memref<1024xi32, #tpu.memory_space<vmem>> -> memref<128xi32, #tpu.memory_space<vmem>>
    %dma_wait3A_89 = arith.constant 0 : i32
    %dma_wait3A_90 = tpu.memref_slice %arg2[%dma_wait3A_89] : memref<32768xf32, #tpu.memory_space<hbm>> -> memref<32768xf32, #tpu.memory_space<hbm>>
    tpu.wait_indirect_dma semaphore(%arg7 : memref<!tpu.dma_semaphore, #tpu.memory_space<semaphore_mem>>) src(%dma_wait3A_90 : memref<32768xf32, #tpu.memory_space<hbm>>) dst(%dma_wait3A_86 : memref<128xf32, #tpu.memory_space<vmem>>)
    %dma_wait3A_91 = arith.constant 896 : i32
    %dma_wait3A_92 = tpu.memref_slice %arg6[%dma_wait3A_91] : memref<1024xf32, #tpu.memory_space<vmem>> -> memref<128xf32, #tpu.memory_space<vmem>>
    %dma_wait3A_93 = arith.constant 896 : i32
    %dma_wait3A_94 = tpu.memref_slice %arg5[%dma_wait3A_93] : memref<1024xi32, #tpu.memory_space<vmem>> -> memref<128xi32, #tpu.memory_space<vmem>>
    %dma_wait3A_95 = arith.constant 0 : i32
    %dma_wait3A_96 = tpu.memref_slice %arg2[%dma_wait3A_95] : memref<32768xf32, #tpu.memory_space<hbm>> -> memref<32768xf32, #tpu.memory_space<hbm>>
    tpu.wait_indirect_dma semaphore(%arg7 : memref<!tpu.dma_semaphore, #tpu.memory_space<semaphore_mem>>) src(%dma_wait3A_96 : memref<32768xf32, #tpu.memory_space<hbm>>) dst(%dma_wait3A_92 : memref<128xf32, #tpu.memory_space<vmem>>)
    "tpu.region"() ({
      %run_scoped3A = tpu.sem_alloc : memref<!tpu.dma_semaphore, #tpu.memory_space<semaphore_mem>>
      %dma_start3A_97 = tpu.memref_slice %arg4[%mul3A_2] : memref<32768xf32, #tpu.memory_space<hbm>> -> memref<1024xf32, #tpu.memory_space<hbm>>
      %dma_start3A_98 = tpu.memref_slice %arg4[%mul3A_2] : memref<32768xf32, #tpu.memory_space<hbm>> -> memref<1024xf32, #tpu.memory_space<hbm>>
      tpu.enqueue_dma source(%arg6 : memref<1024xf32, #tpu.memory_space<vmem>>) target(%dma_start3A_98 : memref<1024xf32, #tpu.memory_space<hbm>>) target_semaphore(%run_scoped3A : memref<!tpu.dma_semaphore, #tpu.memory_space<semaphore_mem>>)
      %dma_wait3A_99 = tpu.memref_slice %arg4[%mul3A_2] : memref<32768xf32, #tpu.memory_space<hbm>> -> memref<1024xf32, #tpu.memory_space<hbm>>
      %dma_wait3A_100 = tpu.memref_slice %arg4[%mul3A_2] : memref<32768xf32, #tpu.memory_space<hbm>> -> memref<1024xf32, #tpu.memory_space<hbm>>
      tpu.wait_dma2 semaphore(%run_scoped3A : memref<!tpu.dma_semaphore, #tpu.memory_space<semaphore_mem>>) src(%arg6 : memref<1024xf32, #tpu.memory_space<vmem>>) dst(%dma_wait3A_100 : memref<1024xf32, #tpu.memory_space<hbm>>)
      tpu.yield
    }) : () -> ()
    return
  }
}

module attributes {stable_mosaic.version = 14 : i64} {
  func.func @_mm_body(%arg0: i32, %arg1: memref<1024x32xf32, #tpu.memory_space<vmem>>, %arg2: memref<1024x2048xf32, #tpu.memory_space<vmem>>, %arg3: memref<32x2048xf32, #tpu.memory_space<vmem>>, %arg4: memref<1x2048xf32, #tpu.memory_space<vmem>>) attributes {dimension_semantics = [#tpu.dimension_semantics<arbitrary>], iteration_bounds = array<i64: 32>, scalar_prefetch = 0 : i64, scratch_operands = 0 : i64, tpu.core_type = #tpu.core_type<tc>, window_params = [{transform_indices = @transform_0, window_bounds = array<i64: 1024, 32>}, {transform_indices = @transform_1, window_bounds = array<i64: 1024, 2048>}, {pipeline_mode = #tpu.pipeline_mode<synchronous>, transform_indices = @transform_2, window_bounds = array<i64: 32, 2048>}, {pipeline_mode = #tpu.pipeline_mode<synchronous>, transform_indices = @transform_3, window_bounds = array<i64: 1, 2048>}]} {
    %eq3A = arith.constant 0 : i32
    %eq3A_0 = arith.cmpi eq, %arg0, %eq3A : i32
    %convert_element_type3A = arith.extui %eq3A_0 : i1 to i32
    %cond3A = arith.constant 0 : i32
    %cond3A_1 = arith.cmpi ne, %convert_element_type3A, %cond3A : i32
    scf.if %cond3A_1 {
      %broadcast_in_dim3A_21 = arith.constant 0.000000e+00 : f32
      %broadcast_in_dim3A_22 = vector.broadcast %broadcast_in_dim3A_21 : f32 to vector<32x2048xf32>
      %swap3A_23 = arith.constant 0 : index
      %swap3A_24 = arith.constant 0 : index
      %swap3A_25 = vector.load %arg3[%swap3A_23, %swap3A_24] : memref<32x2048xf32, #tpu.memory_space<vmem>>, vector<32x2048xf32>
      tpu.vector_store %arg3[%swap3A_23, %swap3A_24], %broadcast_in_dim3A_22 {strides = array<i32>} : memref<32x2048xf32, #tpu.memory_space<vmem>>, vector<32x2048xf32>,
      %broadcast_in_dim3A_26 = arith.constant 0.000000e+00 : f32
      %broadcast_in_dim3A_27 = vector.broadcast %broadcast_in_dim3A_26 : f32 to vector<1x2048xf32>
      %swap3A_28 = arith.constant 0 : index
      %swap3A_29 = arith.constant 0 : index
      %swap3A_30 = vector.load %arg4[%swap3A_28, %swap3A_29] : memref<1x2048xf32, #tpu.memory_space<vmem>>, vector<1x2048xf32>
      tpu.vector_store %arg4[%swap3A_28, %swap3A_29], %broadcast_in_dim3A_27 {strides = array<i32>} : memref<1x2048xf32, #tpu.memory_space<vmem>>, vector<1x2048xf32>,
    } else {
    }
    %get3A = arith.constant 0 : index
    %get3A_2 = arith.constant 0 : index
    %get3A_3 = vector.load %arg2[%get3A, %get3A_2] : memref<1024x2048xf32, #tpu.memory_space<vmem>>, vector<1024x2048xf32>
    %get3A_4 = arith.constant 0 : index
    %get3A_5 = arith.constant 0 : index
    %get3A_6 = vector.load %arg1[%get3A_4, %get3A_5] : memref<1024x32xf32, #tpu.memory_space<vmem>>, vector<1024x32xf32>
    %get3A_7 = arith.constant 0 : index
    %get3A_8 = arith.constant 0 : index
    %get3A_9 = vector.load %arg3[%get3A_7, %get3A_8] : memref<32x2048xf32, #tpu.memory_space<vmem>>, vector<32x2048xf32>
    %dot_general3A = arith.constant dense<0.000000e+00> : vector<32x2048xf32>
    %dot_general3A_10 = tpu.matmul %get3A_6, %get3A_3, %dot_general3A {dimension_numbers = #tpu.dot_dimension_numbers<[0], [0], [1], [1], [0, 1, 1, 1], [], []>, transpose_lhs_hint = false} : vector<1024x32xf32>, vector<1024x2048xf32>, vector<32x2048xf32> -> vector<32x2048xf32>
    %add3A = arith.addf %get3A_9, %dot_general3A_10 : vector<32x2048xf32>
    %swap3A = arith.constant 0 : index
    %swap3A_11 = arith.constant 0 : index
    %swap3A_12 = vector.load %arg3[%swap3A, %swap3A_11] : memref<32x2048xf32, #tpu.memory_space<vmem>>, vector<32x2048xf32>
    tpu.vector_store %arg3[%swap3A, %swap3A_11], %add3A {strides = array<i32>} : memref<32x2048xf32, #tpu.memory_space<vmem>>, vector<32x2048xf32>,
    %get3A_13 = arith.constant 0 : index
    %get3A_14 = arith.constant 0 : index
    %get3A_15 = vector.load %arg4[%get3A_13, %get3A_14] : memref<1x2048xf32, #tpu.memory_space<vmem>>, vector<1x2048xf32>
    %mul3A = arith.mulf %get3A_3, %get3A_3 : vector<1024x2048xf32>
    %reduce_sum3A = arith.constant dense<0.000000e+00> : vector<2048xf32>
    %reduce_sum3A_16 = vector.multi_reduction <add>, %mul3A, %reduce_sum3A [0] : vector<1024x2048xf32> to vector<2048xf32>
    %broadcast_in_dim3A = vector.shape_cast %reduce_sum3A_16 : vector<2048xf32> to vector<1x2048xf32>
    %add3A_17 = arith.addf %get3A_15, %broadcast_in_dim3A : vector<1x2048xf32>
    %swap3A_18 = arith.constant 0 : index
    %swap3A_19 = arith.constant 0 : index
    %swap3A_20 = vector.load %arg4[%swap3A_18, %swap3A_19] : memref<1x2048xf32, #tpu.memory_space<vmem>>, vector<1x2048xf32>
    tpu.vector_store %arg4[%swap3A_18, %swap3A_19], %add3A_17 {strides = array<i32>} : memref<1x2048xf32, #tpu.memory_space<vmem>>, vector<1x2048xf32>,
    return
  }
  func.func @transform_0(%arg0: i32) -> (i32, i32) {
    %c0_i32 = arith.constant 0 : i32
    %c0_i32_0 = arith.constant 0 : i32
    return %arg0, %c0_i32 : i32, i32
  }
  func.func @transform_1(%arg0: i32) -> (i32, i32) {
    %c0_i32 = arith.constant 0 : i32
    %c0_i32_0 = arith.constant 0 : i32
    return %arg0, %c0_i32 : i32, i32
  }
  func.func @transform_2(%arg0: i32) -> (i32, i32) {
    %c0_i32 = arith.constant 0 : i32
    %c0_i32_0 = arith.constant 0 : i32
    %c0_i32_1 = arith.constant 0 : i32
    return %c0_i32, %c0_i32_0 : i32, i32
  }
  func.func @transform_3(%arg0: i32) -> (i32, i32) {
    %c0_i32 = arith.constant 0 : i32
    %c0_i32_0 = arith.constant 0 : i32
    %c0_i32_1 = arith.constant 0 : i32
    return %c0_i32, %c0_i32_0 : i32, i32
  }
}

module attributes {stable_mosaic.version = 14 : i64} {
  func.func @_head_body(%arg0: memref<32x2048xf32, #tpu.memory_space<vmem>>, %arg1: memref<1x2048xf32, #tpu.memory_space<vmem>>, %arg2: memref<1x2048xf32, #tpu.memory_space<vmem>>, %arg3: memref<32x1xf32, #tpu.memory_space<vmem>>, %arg4: memref<32x1xf32, #tpu.memory_space<vmem>>, %arg5: memref<32x32768xf32, #tpu.memory_space<vmem>>, %arg6: memref<1x32768xf32, #tpu.memory_space<vmem>>, %arg7: memref<1x32768xf32, #tpu.memory_space<vmem>>) attributes {dimension_semantics = [], scalar_prefetch = 0 : i64, scratch_operands = 0 : i64, tpu.core_type = #tpu.core_type<tc>} {
    %get3A = arith.constant 0 : index
    %get3A_0 = arith.constant 0 : index
    %get3A_1 = vector.load %arg1[%get3A, %get3A_0] : memref<1x2048xf32, #tpu.memory_space<vmem>>, vector<1x2048xf32>
    %sqrt3A = math.sqrt %get3A_1 : vector<1x2048xf32>
    %reduce_sum3A = vector.shape_cast %sqrt3A : vector<1x2048xf32> to vector<1x1x2048xf32>
    %reduce_sum3A_2 = arith.constant dense<0.000000e+00> : vector<1xf32>
    %reduce_sum3A_3 = vector.multi_reduction <add>, %reduce_sum3A, %reduce_sum3A_2 [1, 2] : vector<1x1x2048xf32> to vector<1xf32>
    %reduce_sum3A_4 = vector.shape_cast %reduce_sum3A_3 : vector<1xf32> to vector<1x1x1xf32>
    %reduce_sum3A_5 = vector.extract %reduce_sum3A_4[0, 0, 0] : f32 from vector<1x1x1xf32>
    %get3A_6 = arith.constant 0 : index
    %get3A_7 = arith.constant 0 : index
    %get3A_8 = vector.load %arg0[%get3A_6, %get3A_7] : memref<32x2048xf32, #tpu.memory_space<vmem>>, vector<32x2048xf32>
    %div3A = vector.broadcast %reduce_sum3A_5 : f32 to vector<32x2048xf32>
    %div3A_9 = arith.divf %get3A_8, %div3A : vector<32x2048xf32>
    %get3A_10 = arith.constant 0 : index
    %get3A_11 = arith.constant 0 : index
    %get3A_12 = vector.load %arg3[%get3A_10, %get3A_11] : memref<32x1xf32, #tpu.memory_space<vmem>>, vector<32x1xf32>
    %get3A_13 = arith.constant 0 : index
    %get3A_14 = arith.constant 0 : index
    %get3A_15 = vector.load %arg2[%get3A_13, %get3A_14] : memref<1x2048xf32, #tpu.memory_space<vmem>>, vector<1x2048xf32>
    %mul3A = vector.broadcast %get3A_12 : vector<32x1xf32> to vector<32x2048xf32>
    %mul3A_16 = vector.broadcast %get3A_15 : vector<1x2048xf32> to vector<32x2048xf32>
    %mul3A_17 = arith.mulf %mul3A, %mul3A_16 : vector<32x2048xf32>
    %add3A = arith.addf %div3A_9, %mul3A_17 : vector<32x2048xf32>
    %get3A_18 = arith.constant 0 : index
    %get3A_19 = arith.constant 0 : index
    %get3A_20 = vector.load %arg4[%get3A_18, %get3A_19] : memref<32x1xf32, #tpu.memory_space<vmem>>, vector<32x1xf32>
    %add3A_21 = vector.broadcast %get3A_20 : vector<32x1xf32> to vector<32x2048xf32>
    %add3A_22 = arith.addf %add3A, %add3A_21 : vector<32x2048xf32>
    %tanh3A = math.tanh %add3A_22 : vector<32x2048xf32>
    %reduce_sum3A_23 = arith.constant dense<0.000000e+00> : vector<32xf32>
    %reduce_sum3A_24 = vector.multi_reduction <add>, %tanh3A, %reduce_sum3A_23 [1] : vector<32x2048xf32> to vector<32xf32>
    %broadcast_in_dim3A = vector.shape_cast %reduce_sum3A_24 : vector<32xf32> to vector<1x32xf32>
    %get3A_25 = arith.constant 0 : index
    %get3A_26 = arith.constant 0 : index
    %get3A_27 = vector.load %arg5[%get3A_25, %get3A_26] : memref<32x32768xf32, #tpu.memory_space<vmem>>, vector<32x32768xf32>
    %dot_general3A = arith.constant dense<0.000000e+00> : vector<1x32768xf32>
    %dot_general3A_28 = tpu.matmul %broadcast_in_dim3A, %get3A_27, %dot_general3A {dimension_numbers = #tpu.dot_dimension_numbers<[1], [0], [0], [1], [0, 0, 1, 1], [], []>, transpose_lhs_hint = false} : vector<1x32xf32>, vector<32x32768xf32>, vector<1x32768xf32> -> vector<1x32768xf32>
    %get3A_29 = arith.constant 0 : index
    %get3A_30 = arith.constant 0 : index
    %get3A_31 = vector.load %arg6[%get3A_29, %get3A_30] : memref<1x32768xf32, #tpu.memory_space<vmem>>, vector<1x32768xf32>
    %add3A_32 = arith.addf %dot_general3A_28, %get3A_31 : vector<1x32768xf32>
    %mul3A_33 = vector.broadcast %reduce_sum3A_5 : f32 to vector<1x32768xf32>
    %mul3A_34 = arith.mulf %add3A_32, %mul3A_33 : vector<1x32768xf32>
    %swap3A = arith.constant 0 : index
    %swap3A_35 = arith.constant 0 : index
    %swap3A_36 = vector.load %arg7[%swap3A, %swap3A_35] : memref<1x32768xf32, #tpu.memory_space<vmem>>, vector<1x32768xf32>
    tpu.vector_store %arg7[%swap3A, %swap3A_35], %mul3A_34 {strides = array<i32>} : memref<1x32768xf32, #tpu.memory_space<vmem>>, vector<1x32768xf32>,
    return
  }
}

</mosaic_0001>

<sc_bundles>
// kernel: kernel.6.cloned.1.call-start
scs
__scs_entry_jumppad:
0x0: {  	(pc) =	sbr.rel $0x88, $3  }
0x1: {  	(tag) =	ssettag $0x0;
	lr =	simm.s32 $0x1  }
0x2: {  	[smem:$0x3F9B] =	sst lr;
	_ =	strace $0xD0000000  }
0x3: {  	_ = 	snop  }
0x4: {  	_ = 	snop  }
0x5: {  	_ = 	snop  }
0x6: {  	_ = 	snop  }
0x7: {  	_ = 	snop  }
__scs_overlays_trampoline_lowered:
0x8: {  	[smem:$0x3FAA] =	sst s0  }
0x9: {  	[smem:$0x3FAB] =	sst s1  }
0xa: {  	[smem:$0x3FAC] =	sst s2  }
0xb: {  	[smem:$0x3FAD] =	sst s3  }
0xc: {  	[smem:$0x3FAE] =	sst s4  }
0xd: {  	[smem:$0x3FAF] =	sst s5  }
0xe: {  	[smem:$0x3FB0] =	sst s6  }
0xf: {  	[smem:$0x3FB1] =	sst s7  }
0x10: {  	[smem:$0x3FB2] =	sst s8  }
0x11: {  	[smem:$0x3FB3] =	sst s9;
	s0 =	simm.s32 @!p0 $0x0  }
0x12: {  	s1 =	sld [smem:$0x3F99];
	s0 =	simm.s32 @p0 $0x1  }
0x13: {  	[smem:$0x3FB4] =	sst s0;
	s0 =	simm.s32 @!p1 $0x0  }
0x14: {  	s2 =	sld [smem:$0x3F98];
	s0 =	simm.s32 @p1 $0x1  }
0x15: {  	[smem:$0x3FB5] =	sst s0;
	s0 =	simm.s32 @!p2 $0x0  }
0x16: {  	s3 =	sld [smem:$0x3FDB];
	s0 =	simm.s32 @p2 $0x1  }
0x17: {  	s4 =	simm.s32 $0x1BF5;
	[smem:$0x3FB7] =	sst s0  }
0x18: {  	s0 =	sld [smem:$0x3F9A];
	_ =	swait.ge [sflag:s4], $0x0  }
0x19: {  	s7 =	sld [smem:$0x3F9B]  }
0x1a: {  	s8 =	sadd.s32 $0xFFFFE003, lr  }
0x1b: {  	s9 =	sadd.s32 $0xFFFFFEF7, lr;
	s5 =	simm.s32 $0xFFFFFFFF;
	p2 =	slt.u32 s8, $0xFFFFF086  }
0x1c: {  	p1 =	slt.u32 s9, $0xF7A;
	s5 =	simm.s32 @!p2 $0x0  }
0x1d: {  	s5 =	simm.s32 @p1 $0x1;
	p0 =	seq.s32 s7, s2  }
0x1e: {  	s7 =	smul.u32 @!p0 $0xF7A, s2;
	p2 =	seq.s32 @!p0 s5, $0x0  }
0x1f: {  	s9 =	smul.u32 $0xF7A, s1;
	s8 =	simm.s32 @!p0 $0x1BF5;
	p2 =	por !p2, p0  }
0x20: {  	[sflag:s8] =	ssyncset.s32 @!p0 $0xFFFFF086;
	s6 =	sadd.s32 @!p0 s3, s7;
	s7 =	simm.s32 @!p0 $0x108  }
0x21: {  	s3 =	sadd.s32 s3, s9;
	s6 =	sadd.s32 @!p0 $0x88, s6;
	s7 =	simm.s32 @p2 $0x1082  }
0x22: {  	[simem:s7], [sflag:s8] =	dma.local @!p0 [hbm:s6], $0xF7A  }
0x23: {  	s9 =	sor.u32 $0xD0000000, s2;
	s6 =	simm.s32 $0x108;
	_ =	swait.ge @!p0 [sflag:s8], $0x0  }
0x24: {  	s3 =	sadd.s32 $0x88, s3;
	s6 =	simm.s32 @!p1 $0x1082;
	[sflag:s4] =	ssyncset.s32 $0xFFFFF086  }
0x25: {  	[simem:s6], [sflag:s4] =	dma.local [hbm:s3], $0xF7A  }
0x26: {  	[smem:$0x3F9B] =	sst s1;
	(tag) =	ssettag s2;
	_ =	strace s9  }
0x27: {  	s1 =	sld [smem:$0x3FAB]  }
0x28: {  	s2 =	sld [smem:$0x3FAC]  }
0x29: {  	s4 =	sld [smem:$0x3FAE]  }
0x2a: {  	p0 =	seq.s32 s5, $0x0;
	s5 =	sld [smem:$0x3FAF]  }
0x2b: {  	s6 =	sld [smem:$0x3FB0]  }
0x2c: {  	s7 =	sld [smem:$0x3FB1]  }
0x2d: {  	s3 =	simm.s32 $0x108;
	s8 =	sld [smem:$0x3FB2]  }
0x2e: {  	s3 =	simm.s32 @!p0 $0x1082;
	s9 =	sld [smem:$0x3FB3]  }
0x2f: {  	lr =	sadd.s32 s0, s3;
	s0 =	sld [smem:$0x3FAA]  }
0x30: {  	s3 =	sld [smem:$0x3FAD]  }
0x31: {  	[smem:$0x3FB6] =	sst s10  }
0x32: {  	s10 =	sld [smem:$0x3FB4];
	_ =	sdelay $0x3  }
0x33: {  	p0 =	seq.s32 s10, $0x1;
	s10 =	sld [smem:$0x3FB6];
	_ =	sdelay $0x3  }
0x34: {  	[smem:$0x3FB6] =	sst s10  }
0x35: {  	s10 =	sld [smem:$0x3FB5];
	_ =	sdelay $0x3  }
0x36: {  	p1 =	seq.s32 s10, $0x1;
	s10 =	sld [smem:$0x3FB6];
	_ =	sdelay $0x3  }
0x37: {  	[smem:$0x3FB6] =	sst s10  }
0x38: {  	s10 =	sld [smem:$0x3FB7]  }
0x39: {  	_ = 	snop;
	(pc) =	sbr.ind lr, $3  }
0x3a: {  	_ = 	snop  }
0x3b: {  	_ = 	snop  }
0x3c: {  	p2 =	seq.s32 s10, $0x1;
	s10 =	sld [smem:$0x3FB6]  }
0x3d: {  	_ =	shalt  }
0x3e: {  	_ =	shalt  }
0x3f: {  	_ =	shalt  }
0x40: {  	_ =	shalt  }
0x41: {  	_ =	shalt  }
0x42: {  	_ =	shalt  }
0x43: {  	_ =	shalt  }
0x44: {  	_ =	shalt  }
0x45: {  	_ =	shalt  }
0x46: {  	_ =	shalt  }
0x47: {  	_ =	shalt  }
0x48: {  	_ =	shalt  }
0x49: {  	_ =	shalt  }
0x4a: {  	_ =	shalt  }
0x4b: {  	_ =	shalt  }
0x4c: {  	_ =	shalt  }
0x4d: {  	_ =	shalt  }
0x4e: {  	_ =	shalt  }
0x4f: {  	_ =	shalt  }
0x50: {  	_ =	shalt  }
0x51: {  	_ =	shalt  }
0x52: {  	_ =	shalt  }
0x53: {  	_ =	shalt  }
0x54: {  	_ =	shalt  }
0x55: {  	_ =	shalt  }
0x56: {  	_ =	shalt  }
0x57: {  	_ =	shalt  }
0x58: {  	_ =	shalt  }
0x59: {  	_ =	shalt  }
0x5a: {  	_ =	shalt  }
0x5b: {  	_ =	shalt  }
0x5c: {  	_ =	shalt  }
0x5d: {  	_ =	shalt  }
0x5e: {  	_ =	shalt  }
0x5f: {  	_ =	shalt  }
0x60: {  	_ =	shalt  }
0x61: {  	_ =	shalt  }
0x62: {  	_ =	shalt  }
0x63: {  	_ =	shalt  }
0x64: {  	_ =	shalt  }
0x65: {  	_ =	shalt  }
0x66: {  	_ =	shalt  }
0x67: {  	_ =	shalt  }
0x68: {  	_ =	shalt  }
0x69: {  	_ =	shalt  }
0x6a: {  	_ =	shalt  }
0x6b: {  	_ =	shalt  }
0x6c: {  	_ =	shalt  }
0x6d: {  	_ =	shalt  }
0x6e: {  	_ =	shalt  }
0x6f: {  	_ =	shalt  }
0x70: {  	_ =	shalt  }
0x71: {  	_ =	shalt  }
0x72: {  	_ =	shalt  }
0x73: {  	_ =	shalt  }
0x74: {  	_ =	shalt  }
0x75: {  	_ =	shalt  }
0x76: {  	_ =	shalt  }
0x77: {  	_ =	shalt  }
0x78: {  	_ =	shalt  }
0x79: {  	_ =	shalt  }
0x7a: {  	_ =	shalt  }
0x7b: {  	_ =	shalt  }
0x7c: {  	_ =	shalt  }
0x7d: {  	_ =	shalt  }
0x7e: {  	_ =	shalt  }
0x7f: {  	_ =	shalt  }
0x80: {  	_ =	shalt  }
0x81: {  	_ =	shalt  }
0x82: {  	_ =	shalt  }
0x83: {  	_ =	shalt  }
0x84: {  	_ =	shalt  }
0x85: {  	_ =	shalt  }
0x86: {  	_ =	shalt  }
0x87: {  	_ =	shalt  }
.Lfunc_end0:
.L_simem_size_0:
called_computation_lowered:
.L_overlay_start_0:
0x88: {  	s2 =	sld [smem:$0x3FD9]  }
0x89: {  	s3 =	sld [smem:$0x3FFE];
	_ =	sdelay $0x1  }
0x8a: {  	s1 =	srdreg.scid  }
0x8b: {  	s0 =	sand.u32 $0x1, s1  }
0x8c: {  	s17 =	sshll.u32 s0, $0xA;
	s2 =	sadd.s32 s3, s2  }
0x8d: {  	s2 =	sadd.s32 s2, s17  }
0x8e: {  	[smem:$0x3FC2] =	sst s2  }
0x8f: {  	_ = 	snop  }
0x90: {  	s2 =	sld [smem:$0x3FD0];
	(tm) =	ssettm $0x1  }
0x91: {  	s18 =	sld [smem:$0x3FFB];
	_ =	sdelay $0x3  }
0x92: {  	_ =	strace s18  }
0x93: {  	s3 =	sld [smem:$0x3FFC];
	_ =	sdelay $0x3  }
0x94: {  	_ =	strace s3  }
0x95: {  	s3 =	sld [smem:$0x3FFD];
	_ =	sdelay $0x3  }
0x96: {  	_ =	strace s3  }
0x97: {  	_ =	strace $0x8FFFFFFF  }
0x98: {  	s19 =	sld [smem:$0x3FDB];
	_ =	sdelay $0x1  }
0x99: {  	s4 =	simm.s32 $_scs_section_size  }
0x9a: {  	s5 =	simm.s32 $_size__tile_overlayer_lowered;
	s6 =	simm.s32 $_tile_overlayer_lowered  }
0x9b: {  	s22 =	simm.s32 $0x1BFF;
	s21 =	sshll.u32 s6, $0x1;
	s3 =	sadd.s32 s4, s19  }
0x9c: {  	s7 =	simm.s32 $0x0;
	s20 =	sshll.u32 s5, $0x1;
	s5 =	sadd.s32 s21, s3  }
0x9d: {  	[timem:s7], [sflag:s22] =	dma.local [hbm:s5], s20  }
0x9e: {  	_ =	swait.ge [sflag:s22], s20  }
0x9f: {  	s4 =	ssub.s32 $0x0, s20;
	[sflag:s22] =	ssyncset.done $0x0  }
0xa0: {  	[sflag:s22] =	ssyncadd.s32 s4;
	_ =	sdelay $0x1  }
0xa1: {  	s23 =	simm.s32 $0x1B8B  }
0xa2: {  	_ =	swait.ge [sflag:s23], $0x1  }
0xa3: {  	[sflag:s23] =	ssyncset.done $0x0  }
0xa4: {  	s25 =	simm.s32 $0x1B8E;
	s24 =	sld [smem:$0x3FFE];
	[sflag:s23] =	ssyncadd.s32 $0xFFFFFFFF  }
0xa5: {  	s26 =	simm.s32 $execute0_lowered;
	[smem:$0x3FD2] =	sst s25  }
0xa6: {  	s5 =	sshll.u32 s26, $0x1;
	_ =	strace $0x80000046;
	[dreg:$0x1] =	wrdreg $0xFFFFFFFF  }
0xa7: {  	s28 =	simm.s32 $_size_execute0_lowered;
	s3 =	sadd.s32 s3, s5;
	[dreg:$0x0] =	wrdreg $0x0  }
0xa8: {  	s5 =	sshll.u32 s28, $0x1;
	[dreg:$0x2] =	wrdreg s3  }
0xa9: {  	[dreg:$0x3] =	wrdreg s5  }
0xaa: {  	[dreg:$0x4] =	wrdreg $0xC0  }
0xab: {  	_ =	task [dreg:s7], $0x5FFFF  }
0xac: {  	[dreg:$0x1] =	wrdreg $0xFFFFFFFF  }
0xad: {  	[dreg:$0x0] =	wrdreg $0x60  }
0xae: {  	[dreg:$0x2] =	wrdreg s24  }
0xaf: {  	[dreg:$0x3] =	wrdreg s2  }
0xb0: {  	[dreg:$0x4] =	wrdreg $0x9  }
0xb1: {  	_ =	task.clear_ibuf [dreg:s7], $0x5FFFF;
	_ =	strace $0x90000046  }
0xb2: {  	s29 =	simm.s32 $0x9;
	_ =	strace $0x80000048  }
0xb3: {  	_ =	swait.ge [sflag:s29], $0x1  }
0xb4: {  	[sflag:s29] =	ssyncadd.s32 $0xFFFFFFFF  }
0xb5: {  	_ =	strace $0x90000048  }
0xb6: {  	_ =	sfence  }
0xb7: {  	s30 =	sld [smem:$0x0];
	_ =	sdelay $0x2  }
0xb8: {  	s31 =	sshll.u32 s1, $0xD;
	s1 =	sshrl.u32 s1, $0x2  }
0xb9: {  	s3 =	sand.u32 $0x4000, s31;
	s1 =	sadd.s32 s1, s30  }
0xba: {  	s0 =	sor.u32 s3, s0;
	s1 =	sshll.u32 s1, $0x11  }
0xbb: {  	s0 =	sor.u32 s1, s0  }
0xbc: {  	s0 =	sadd.s32 $0x8F2B, s0  }
0xbd: {  	[sflag:s0] =	ssyncadd.remote.s32 $0x1  }
0xbe: {  	_ =	sfence.sel $0xFFFF  }
0xbf: {  	[dreg:$0x0] =	wrdreg $0xFFFFFFFF;
	(pc) =	sbr.abs _section_cstart, $3  }
0xc0: {  	[dreg:$0x1] =	wrdreg $0xFFFFFFFF  }
0xc1: {  	_ =	task.clear_ibuf [dreg:s7], $0x2FFFF;
	_ =	strace $0x9FFFFFFF  }
0xc2: {  	(tm) =	ssettm $0x7FFFFFFF  }
0xc3: {  	_ =	shalt  }
tec
execute0_lowered:
.L_overlay_start_1:
0x0: {  	(tag) =	ssettag $0x1  }
0x1: {  	s1 =	srdreg.scid  }
0x2: {  	s22 =	rddreg [dreg:$0x0];
	s0 =	stileid.u32;
	s23 =	sand.u32 $0x1, s1  }
0x3: {  	s3 =	rddreg [dreg:$0x1];
	s4 =	sshll.u32 s0, $0xB;
	s5 =	sshll.u32 s23, $0xA  }
0x4: {  	s2 =	simm.s32 $0x0;
	s1 =	rddreg [dreg:$0x2];
	s24 =	sor.u32 s5, s4  }
0x5: {  	[smem:$0x7FF] =	sst s2;
	s4 =	sshrl.u32 s24, $0x3  }
0x6: {  	_ =	strace $0x80000047;
	s4 =	sadd.s32 s3, s4;
	s3 =	simm.s32 $0x2  }
0x7: {  	[tilespmem:s2], [sflag:$0x2] =	stream.linear.gather [hbm4b:s4+s2], $0x400, $0x38;
	[tilespmem:$0x8400] =	vst v63  }
0x8: {  	_ =	swait.ge [sflag:s3], $0x400  }
0x9: {  	s6 =	simm.s32 $0x80;
	[sflag:s3] =	ssyncset.done $0x0  }
0xa: {  	s7 =	simm.s32 $0x400;
	s5 =	sadd.s32 $0x81200, s22;
	[sflag:s3] =	ssyncadd.s32 $0xFFFFFC00  }
0xb: {  	[tilespmem:s7], [sflag:$0x1] =	stream.indirect.gather [hbm4b:s5+s6], $0x20, s2, s6, $0xb8;
	[tilespmem:$0x8400] =	vst v63  }
0xc: {  	s8 =	simm.s32 $0x1400  }
0xd: {  	[tilespmem:s8], [sflag:$0x1] =	stream.indirect.gather [hbm4b:s5+s6], $0x20, s6, s6, $0xb8;
	[tilespmem:$0x8400] =	vst v63  }
0xe: {  	s9 =	simm.s32 $0x100;
	s10 =	simm.s32 $0x2400  }
0xf: {  	[tilespmem:s10], [sflag:$0x1] =	stream.indirect.gather [hbm4b:s5+s6], $0x20, s9, s6, $0xb8;
	[tilespmem:$0x8400] =	vst v63  }
0x10: {  	s11 =	simm.s32 $0x180;
	s12 =	simm.s32 $0x3400  }
0x11: {  	[tilespmem:s12], [sflag:$0x1] =	stream.indirect.gather [hbm4b:s5+s6], $0x20, s11, s6, $0xb8;
	[tilespmem:$0x8400] =	vst v63  }
0x12: {  	s13 =	simm.s32 $0x200;
	s14 =	simm.s32 $0x4400  }
0x13: {  	[tilespmem:s14], [sflag:$0x1] =	stream.indirect.gather [hbm4b:s5+s6], $0x20, s13, s6, $0xb8;
	[tilespmem:$0x8400] =	vst v63  }
0x14: {  	s15 =	simm.s32 $0x280;
	s16 =	simm.s32 $0x5400  }
0x15: {  	[tilespmem:s16], [sflag:$0x1] =	stream.indirect.gather [hbm4b:s5+s6], $0x20, s15, s6, $0xb8;
	[tilespmem:$0x8400] =	vst v63  }
0x16: {  	s17 =	simm.s32 $0x300;
	s18 =	simm.s32 $0x6400  }
0x17: {  	[tilespmem:s18], [sflag:$0x1] =	stream.indirect.gather [hbm4b:s5+s6], $0x20, s17, s6, $0xb8;
	[tilespmem:$0x8400] =	vst v63  }
0x18: {  	s19 =	simm.s32 $0x380;
	s20 =	simm.s32 $0x7400;
	s21 =	simm.s32 $0x1  }
0x19: {  	[tilespmem:s20], [sflag:$0x1] =	stream.indirect.gather [hbm4b:s5+s6], $0x20, s19, s6, $0xb8;
	[tilespmem:$0x8400] =	vst v63  }
0x1a: {  	_ =	swait.ge [sflag:s21], $0x1000  }
0x1b: {  	[sflag:s21] =	ssyncset.done $0x0  }
0x1c: {  	[sflag:s21] =	ssyncadd.s32 $0xFFFFF000  }
0x1d: {  	_ =	swait.ge [sflag:s21], $0x1000  }
0x1e: {  	[sflag:s21] =	ssyncset.done $0x0  }
0x1f: {  	[sflag:s21] =	ssyncadd.s32 $0xFFFFF000  }
0x20: {  	_ =	swait.ge [sflag:s21], $0x1000  }
0x21: {  	[sflag:s21] =	ssyncset.done $0x0  }
0x22: {  	[sflag:s21] =	ssyncadd.s32 $0xFFFFF000  }
0x23: {  	_ =	swait.ge [sflag:s21], $0x1000  }
0x24: {  	[sflag:s21] =	ssyncset.done $0x0  }
0x25: {  	[sflag:s21] =	ssyncadd.s32 $0xFFFFF000  }
0x26: {  	_ =	swait.ge [sflag:s21], $0x1000  }
0x27: {  	[sflag:s21] =	ssyncset.done $0x0  }
0x28: {  	[sflag:s21] =	ssyncadd.s32 $0xFFFFF000  }
0x29: {  	_ =	swait.ge [sflag:s21], $0x1000  }
0x2a: {  	[sflag:s21] =	ssyncset.done $0x0  }
0x2b: {  	s23 =	ssub.s32 $0x2, s23;
	[sflag:s21] =	ssyncadd.s32 $0xFFFFF000  }
0x2c: {  	s25 =	sshrl.u32 s23, $0x1;
	_ =	swait.ge [sflag:s21], $0x1000  }
0x2d: {  	s23 =	ssub.s32 s23, s25;
	[sflag:s21] =	ssyncset.done $0x0  }
0x2e: {  	s23 =	smax.u32 s23, $0x1;
	[sflag:s21] =	ssyncadd.s32 $0xFFFFF000  }
0x2f: {  	s24 =	sshll.u32 s24, $0x2;
	p0 =	sne.s32 s23, $0x1;
	_ =	swait.ge [sflag:s21], $0x1000  }
.Ltmp0:
0x30: {  	s22 =	sadd.s32 s24, s22;
	[sflag:s21] =	ssyncset.done $0x0;
	(pc) =	sbr.rel @!p0 .LBB2_2-.Ltmp0, $4  }
0x31: {  	s22 =	sadd.s32 $0xA1200, s22;
	[sflag:s21] =	ssyncadd.s32 $0xFFFFF000  }
0x32: {  	[hbm4b:s22+s2] =	stream.linear.scatter [tilespmem:s7], [sflag:$0x2], $0x8000, $0x38;
	[tilespmem:$0x8400] =	vst v63  }
0x33: {  	_ =	swait.ge [sflag:s3], $0x8000  }
0x34: {  	s23 =	sadd.s32 $0xFFFFFFFF, s23;
	[sflag:s3] =	ssyncset.done $0x0  }
.LBB2_1:
0x35: {  	p0 =	sne.s32 s23, $0x1;
	s23 =	sadd.s32 $0xFFFFFFFF, s23;
	[sflag:s3] =	ssyncadd.s32 $0xFFFF8000  }
0x36: {  	[tilespmem:s2], [sflag:$0x2] =	stream.linear.gather [hbm4b:s4+s2], $0x400, $0x38;
	[tilespmem:$0x8400] =	vst v63  }
0x37: {  	_ =	swait.ge [sflag:s3], $0x400  }
0x38: {  	[sflag:s3] =	ssyncset.done $0x0  }
0x39: {  	[sflag:s3] =	ssyncadd.s32 $0xFFFFFC00  }
0x3a: {  	[tilespmem:s7], [sflag:$0x1] =	stream.indirect.gather [hbm4b:s5+s6], $0x20, s2, s6, $0xb8;
	[tilespmem:$0x8400] =	vst v63  }
0x3b: {  	_ = 	snop  }
0x3c: {  	[tilespmem:s8], [sflag:$0x1] =	stream.indirect.gather [hbm4b:s5+s6], $0x20, s6, s6, $0xb8;
	[tilespmem:$0x8400] =	vst v63  }
0x3d: {  	_ = 	snop  }
0x3e: {  	[tilespmem:s10], [sflag:$0x1] =	stream.indirect.gather [hbm4b:s5+s6], $0x20, s9, s6, $0xb8;
	[tilespmem:$0x8400] =	vst v63  }
0x3f: {  	_ = 	snop  }
0x40: {  	[tilespmem:s12], [sflag:$0x1] =	stream.indirect.gather [hbm4b:s5+s6], $0x20, s11, s6, $0xb8;
	[tilespmem:$0x8400] =	vst v63  }
0x41: {  	_ = 	snop  }
0x42: {  	[tilespmem:s14], [sflag:$0x1] =	stream.indirect.gather [hbm4b:s5+s6], $0x20, s13, s6, $0xb8;
	[tilespmem:$0x8400] =	vst v63  }
0x43: {  	_ = 	snop  }
0x44: {  	[tilespmem:s16], [sflag:$0x1] =	stream.indirect.gather [hbm4b:s5+s6], $0x20, s15, s6, $0xb8;
	[tilespmem:$0x8400] =	vst v63  }
0x45: {  	_ = 	snop  }
0x46: {  	[tilespmem:s18], [sflag:$0x1] =	stream.indirect.gather [hbm4b:s5+s6], $0x20, s17, s6, $0xb8;
	[tilespmem:$0x8400] =	vst v63  }
0x47: {  	_ = 	snop  }
0x48: {  	[tilespmem:s20], [sflag:$0x1] =	stream.indirect.gather [hbm4b:s5+s6], $0x20, s19, s6, $0xb8;
	[tilespmem:$0x8400] =	vst v63  }
0x49: {  	_ =	swait.ge [sflag:s21], $0x1000  }
0x4a: {  	[sflag:s21] =	ssyncset.done $0x0  }
0x4b: {  	[sflag:s21] =	ssyncadd.s32 $0xFFFFF000  }
0x4c: {  	_ =	swait.ge [sflag:s21], $0x1000  }
0x4d: {  	[sflag:s21] =	ssyncset.done $0x0  }
0x4e: {  	[sflag:s21] =	ssyncadd.s32 $0xFFFFF000  }
0x4f: {  	_ =	swait.ge [sflag:s21], $0x1000  }
0x50: {  	[sflag:s21] =	ssyncset.done $0x0  }
0x51: {  	[sflag:s21] =	ssyncadd.s32 $0xFFFFF000  }
0x52: {  	_ =	swait.ge [sflag:s21], $0x1000  }
0x53: {  	[sflag:s21] =	ssyncset.done $0x0  }
0x54: {  	[sflag:s21] =	ssyncadd.s32 $0xFFFFF000  }
0x55: {  	_ =	swait.ge [sflag:s21], $0x1000  }
0x56: {  	[sflag:s21] =	ssyncset.done $0x0  }
0x57: {  	[sflag:s21] =	ssyncadd.s32 $0xFFFFF000  }
0x58: {  	_ =	swait.ge [sflag:s21], $0x1000  }
0x59: {  	[sflag:s21] =	ssyncset.done $0x0  }
0x5a: {  	[sflag:s21] =	ssyncadd.s32 $0xFFFFF000  }
0x5b: {  	_ =	swait.ge [sflag:s21], $0x1000  }
0x5c: {  	[sflag:s21] =	ssyncset.done $0x0  }
0x5d: {  	[sflag:s21] =	ssyncadd.s32 $0xFFFFF000  }
0x5e: {  	_ =	swait.ge [sflag:s21], $0x1000  }
.Ltmp1:
0x5f: {  	[sflag:s21] =	ssyncset.done $0x0;
	(pc) =	sbr.rel @p0 .LBB2_1-.Ltmp1, $4  }
0x60: {  	[sflag:s21] =	ssyncadd.s32 $0xFFFFF000  }
0x61: {  	[hbm4b:s22+s2] =	stream.linear.scatter [tilespmem:s7], [sflag:$0x2], $0x8000, $0x38;
	[tilespmem:$0x8400] =	vst v63  }
0x62: {  	_ =	swait.ge [sflag:s3], $0x8000  }
0x63: {  	[sflag:s3] =	ssyncset.done $0x0  }
.LBB2_2:
0x64: {  	[sflag:s3] =	ssyncadd.s32 $0xFFFF8000  }
0x65: {  	_ =	sfence.sel $0x180000  }
0x66: {  	[bflag:$0x0] =	sbarrier.arrive $0xFFFF  }
0x67: {  	p0 =	sne.s32 s0, $0x0;
	_ =	strace $0x90000047  }
0x68: {  	s0 =	sadd.s32 @!p0 $0x100000, s1;
	[bflag:$0x2] =	sbarrier.arrive $0xFFFF  }
0x69: {  	[sflag:s0] =	ssyncadd.tile.s32 @!p0 $0x1;
	_ =	shalt  }
.Lfunc_end2:
_tile_overlayer_lowered:
.L_overlay_start_2:
0x6a: {  	(tag) =	ssettag $0x2  }
0x6b: {  	s0 =	rddreg [dreg:$0x0];
	s2 =	stileid.u32  }
0x6c: {  	s1 =	rddreg [dreg:$0x1];
	p0 =	sne.s32 s2, $0x0  }
0x6d: {  	s3 =	rddreg [dreg:$0x2];
	[bflag:$0x3] =	sbarrier.arrive $0xFFFF;
	s2 =	simm.s32 @!p0 $0x1C02  }
0x6e: {  	[timem:s3], [sflag:s2] =	dma.local @!p0 [hbm:s0], s1  }
0x6f: {  	s0 =	simm.s32 @!p0 $0x2  }
0x70: {  	_ =	swait.ge @!p0 [sflag:s0], s1  }
0x71: {  	s1 =	ssub.s32 @!p0 $0x0, s1;
	[sflag:s0] =	ssyncset.done @!p0 $0x0  }
0x72: {  	[sflag:s0] =	ssyncadd.s32 @!p0 s1  }
0x73: {  	[bflag:$0x3] =	sbarrier.arrive $0xFFFF  }
0x74: {  	_ =	shalt  }

// kernel: kernel.9.cloned.1.call-start
scs
__scs_entry_jumppad:
0x0: {  	(pc) =	sbr.rel $0x88, $3  }
0x1: {  	(tag) =	ssettag $0x0;
	lr =	simm.s32 $0x1  }
0x2: {  	[smem:$0x3F9B] =	sst lr;
	_ =	strace $0xD0000000  }
0x3: {  	_ = 	snop  }
0x4: {  	_ = 	snop  }
0x5: {  	_ = 	snop  }
0x6: {  	_ = 	snop  }
0x7: {  	_ = 	snop  }
__scs_overlays_trampoline_lowered:
0x8: {  	[smem:$0x3FAA] =	sst s0  }
0x9: {  	[smem:$0x3FAB] =	sst s1  }
0xa: {  	[smem:$0x3FAC] =	sst s2  }
0xb: {  	[smem:$0x3FAD] =	sst s3  }
0xc: {  	[smem:$0x3FAE] =	sst s4  }
0xd: {  	[smem:$0x3FAF] =	sst s5  }
0xe: {  	[smem:$0x3FB0] =	sst s6  }
0xf: {  	[smem:$0x3FB1] =	sst s7  }
0x10: {  	[smem:$0x3FB2] =	sst s8  }
0x11: {  	[smem:$0x3FB3] =	sst s9;
	s0 =	simm.s32 @!p0 $0x0  }
0x12: {  	s1 =	sld [smem:$0x3F99];
	s0 =	simm.s32 @p0 $0x1  }
0x13: {  	[smem:$0x3FB4] =	sst s0;
	s0 =	simm.s32 @!p1 $0x0  }
0x14: {  	s2 =	sld [smem:$0x3F98];
	s0 =	simm.s32 @p1 $0x1  }
0x15: {  	[smem:$0x3FB5] =	sst s0;
	s0 =	simm.s32 @!p2 $0x0  }
0x16: {  	s3 =	sld [smem:$0x3FDB];
	s0 =	simm.s32 @p2 $0x1  }
0x17: {  	s4 =	simm.s32 $0x1BF5;
	[smem:$0x3FB7] =	sst s0  }
0x18: {  	s0 =	sld [smem:$0x3F9A];
	_ =	swait.ge [sflag:s4], $0x0  }
0x19: {  	s7 =	sld [smem:$0x3F9B]  }
0x1a: {  	s8 =	sadd.s32 $0xFFFFE003, lr  }
0x1b: {  	s9 =	sadd.s32 $0xFFFFFEF7, lr;
	s5 =	simm.s32 $0xFFFFFFFF;
	p2 =	slt.u32 s8, $0xFFFFF086  }
0x1c: {  	p1 =	slt.u32 s9, $0xF7A;
	s5 =	simm.s32 @!p2 $0x0  }
0x1d: {  	s5 =	simm.s32 @p1 $0x1;
	p0 =	seq.s32 s7, s2  }
0x1e: {  	s7 =	smul.u32 @!p0 $0xF7A, s2;
	p2 =	seq.s32 @!p0 s5, $0x0  }
0x1f: {  	s9 =	smul.u32 $0xF7A, s1;
	s8 =	simm.s32 @!p0 $0x1BF5;
	p2 =	por !p2, p0  }
0x20: {  	[sflag:s8] =	ssyncset.s32 @!p0 $0xFFFFF086;
	s6 =	sadd.s32 @!p0 s3, s7;
	s7 =	simm.s32 @!p0 $0x108  }
0x21: {  	s3 =	sadd.s32 s3, s9;
	s6 =	sadd.s32 @!p0 $0x88, s6;
	s7 =	simm.s32 @p2 $0x1082  }
0x22: {  	[simem:s7], [sflag:s8] =	dma.local @!p0 [hbm:s6], $0xF7A  }
0x23: {  	s9 =	sor.u32 $0xD0000000, s2;
	s6 =	simm.s32 $0x108;
	_ =	swait.ge @!p0 [sflag:s8], $0x0  }
0x24: {  	s3 =	sadd.s32 $0x88, s3;
	s6 =	simm.s32 @!p1 $0x1082;
	[sflag:s4] =	ssyncset.s32 $0xFFFFF086  }
0x25: {  	[simem:s6], [sflag:s4] =	dma.local [hbm:s3], $0xF7A  }
0x26: {  	[smem:$0x3F9B] =	sst s1;
	(tag) =	ssettag s2;
	_ =	strace s9  }
0x27: {  	s1 =	sld [smem:$0x3FAB]  }
0x28: {  	s2 =	sld [smem:$0x3FAC]  }
0x29: {  	s4 =	sld [smem:$0x3FAE]  }
0x2a: {  	p0 =	seq.s32 s5, $0x0;
	s5 =	sld [smem:$0x3FAF]  }
0x2b: {  	s6 =	sld [smem:$0x3FB0]  }
0x2c: {  	s7 =	sld [smem:$0x3FB1]  }
0x2d: {  	s3 =	simm.s32 $0x108;
	s8 =	sld [smem:$0x3FB2]  }
0x2e: {  	s3 =	simm.s32 @!p0 $0x1082;
	s9 =	sld [smem:$0x3FB3]  }
0x2f: {  	lr =	sadd.s32 s0, s3;
	s0 =	sld [smem:$0x3FAA]  }
0x30: {  	s3 =	sld [smem:$0x3FAD]  }
0x31: {  	[smem:$0x3FB6] =	sst s10  }
0x32: {  	s10 =	sld [smem:$0x3FB4];
	_ =	sdelay $0x3  }
0x33: {  	p0 =	seq.s32 s10, $0x1;
	s10 =	sld [smem:$0x3FB6];
	_ =	sdelay $0x3  }
0x34: {  	[smem:$0x3FB6] =	sst s10  }
0x35: {  	s10 =	sld [smem:$0x3FB5];
	_ =	sdelay $0x3  }
0x36: {  	p1 =	seq.s32 s10, $0x1;
	s10 =	sld [smem:$0x3FB6];
	_ =	sdelay $0x3  }
0x37: {  	[smem:$0x3FB6] =	sst s10  }
0x38: {  	s10 =	sld [smem:$0x3FB7]  }
0x39: {  	_ = 	snop;
	(pc) =	sbr.ind lr, $3  }
0x3a: {  	_ = 	snop  }
0x3b: {  	_ = 	snop  }
0x3c: {  	p2 =	seq.s32 s10, $0x1;
	s10 =	sld [smem:$0x3FB6]  }
0x3d: {  	_ =	shalt  }
0x3e: {  	_ =	shalt  }
0x3f: {  	_ =	shalt  }
0x40: {  	_ =	shalt  }
0x41: {  	_ =	shalt  }
0x42: {  	_ =	shalt  }
0x43: {  	_ =	shalt  }
0x44: {  	_ =	shalt  }
0x45: {  	_ =	shalt  }
0x46: {  	_ =	shalt  }
0x47: {  	_ =	shalt  }
0x48: {  	_ =	shalt  }
0x49: {  	_ =	shalt  }
0x4a: {  	_ =	shalt  }
0x4b: {  	_ =	shalt  }
0x4c: {  	_ =	shalt  }
0x4d: {  	_ =	shalt  }
0x4e: {  	_ =	shalt  }
0x4f: {  	_ =	shalt  }
0x50: {  	_ =	shalt  }
0x51: {  	_ =	shalt  }
0x52: {  	_ =	shalt  }
0x53: {  	_ =	shalt  }
0x54: {  	_ =	shalt  }
0x55: {  	_ =	shalt  }
0x56: {  	_ =	shalt  }
0x57: {  	_ =	shalt  }
0x58: {  	_ =	shalt  }
0x59: {  	_ =	shalt  }
0x5a: {  	_ =	shalt  }
0x5b: {  	_ =	shalt  }
0x5c: {  	_ =	shalt  }
0x5d: {  	_ =	shalt  }
0x5e: {  	_ =	shalt  }
0x5f: {  	_ =	shalt  }
0x60: {  	_ =	shalt  }
0x61: {  	_ =	shalt  }
0x62: {  	_ =	shalt  }
0x63: {  	_ =	shalt  }
0x64: {  	_ =	shalt  }
0x65: {  	_ =	shalt  }
0x66: {  	_ =	shalt  }
0x67: {  	_ =	shalt  }
0x68: {  	_ =	shalt  }
0x69: {  	_ =	shalt  }
0x6a: {  	_ =	shalt  }
0x6b: {  	_ =	shalt  }
0x6c: {  	_ =	shalt  }
0x6d: {  	_ =	shalt  }
0x6e: {  	_ =	shalt  }
0x6f: {  	_ =	shalt  }
0x70: {  	_ =	shalt  }
0x71: {  	_ =	shalt  }
0x72: {  	_ =	shalt  }
0x73: {  	_ =	shalt  }
0x74: {  	_ =	shalt  }
0x75: {  	_ =	shalt  }
0x76: {  	_ =	shalt  }
0x77: {  	_ =	shalt  }
0x78: {  	_ =	shalt  }
0x79: {  	_ =	shalt  }
0x7a: {  	_ =	shalt  }
0x7b: {  	_ =	shalt  }
0x7c: {  	_ =	shalt  }
0x7d: {  	_ =	shalt  }
0x7e: {  	_ =	shalt  }
0x7f: {  	_ =	shalt  }
0x80: {  	_ =	shalt  }
0x81: {  	_ =	shalt  }
0x82: {  	_ =	shalt  }
0x83: {  	_ =	shalt  }
0x84: {  	_ =	shalt  }
0x85: {  	_ =	shalt  }
0x86: {  	_ =	shalt  }
0x87: {  	_ =	shalt  }
.Lfunc_end0:
.L_simem_size_0:
called_computation.1_lowered:
.L_overlay_start_0:
0x88: {  	s2 =	sld [smem:$0x3FD9]  }
0x89: {  	s3 =	sld [smem:$0x3FFE];
	_ =	sdelay $0x1  }
0x8a: {  	s1 =	srdreg.scid  }
0x8b: {  	s0 =	sand.u32 $0x1, s1  }
0x8c: {  	s17 =	sshll.u32 s0, $0xA;
	s2 =	sadd.s32 s3, s2  }
0x8d: {  	s2 =	sadd.s32 s2, s17  }
0x8e: {  	[smem:$0x3FC2] =	sst s2  }
0x8f: {  	_ = 	snop  }
0x90: {  	s2 =	sld [smem:$0x3FD0];
	(tm) =	ssettm $0x1  }
0x91: {  	s18 =	sld [smem:$0x3FFB];
	_ =	sdelay $0x3  }
0x92: {  	_ =	strace s18  }
0x93: {  	s3 =	sld [smem:$0x3FFC];
	_ =	sdelay $0x3  }
0x94: {  	_ =	strace s3  }
0x95: {  	s3 =	sld [smem:$0x3FFD];
	_ =	sdelay $0x3  }
0x96: {  	_ =	strace s3  }
0x97: {  	_ =	strace $0x8FFFFFFF  }
0x98: {  	s19 =	sld [smem:$0x3FDB];
	_ =	sdelay $0x1  }
0x99: {  	s4 =	simm.s32 $_scs_section_size  }
0x9a: {  	s5 =	simm.s32 $_size__tile_overlayer_lowered;
	s6 =	simm.s32 $_tile_overlayer_lowered  }
0x9b: {  	s22 =	simm.s32 $0x1BFF;
	s21 =	sshll.u32 s6, $0x1;
	s3 =	sadd.s32 s4, s19  }
0x9c: {  	s7 =	simm.s32 $0x0;
	s20 =	sshll.u32 s5, $0x1;
	s5 =	sadd.s32 s21, s3  }
0x9d: {  	[timem:s7], [sflag:s22] =	dma.local [hbm:s5], s20  }
0x9e: {  	_ =	swait.ge [sflag:s22], s20  }
0x9f: {  	s4 =	ssub.s32 $0x0, s20;
	[sflag:s22] =	ssyncset.done $0x0  }
0xa0: {  	[sflag:s22] =	ssyncadd.s32 s4;
	_ =	sdelay $0x1  }
0xa1: {  	s23 =	simm.s32 $0x1B8B  }
0xa2: {  	_ =	swait.ge [sflag:s23], $0x1  }
0xa3: {  	[sflag:s23] =	ssyncset.done $0x0  }
0xa4: {  	s25 =	simm.s32 $0x1B8E;
	s24 =	sld [smem:$0x3FFE];
	[sflag:s23] =	ssyncadd.s32 $0xFFFFFFFF  }
0xa5: {  	s26 =	simm.s32 $execute0_lowered;
	[smem:$0x3FD2] =	sst s25  }
0xa6: {  	s5 =	sshll.u32 s26, $0x1;
	_ =	strace $0x80000049;
	[dreg:$0x1] =	wrdreg $0xFFFFFFFF  }
0xa7: {  	s28 =	simm.s32 $_size_execute0_lowered;
	s3 =	sadd.s32 s3, s5;
	[dreg:$0x0] =	wrdreg $0x0  }
0xa8: {  	s5 =	sshll.u32 s28, $0x1;
	[dreg:$0x2] =	wrdreg s3  }
0xa9: {  	[dreg:$0x3] =	wrdreg s5  }
0xaa: {  	[dreg:$0x4] =	wrdreg $0xC0  }
0xab: {  	_ =	task [dreg:s7], $0x5FFFF  }
0xac: {  	[dreg:$0x1] =	wrdreg $0xFFFFFFFF  }
0xad: {  	[dreg:$0x0] =	wrdreg $0x60  }
0xae: {  	[dreg:$0x2] =	wrdreg s24  }
0xaf: {  	[dreg:$0x3] =	wrdreg s2  }
0xb0: {  	[dreg:$0x4] =	wrdreg $0x9  }
0xb1: {  	_ =	task.clear_ibuf [dreg:s7], $0x5FFFF;
	_ =	strace $0x90000049  }
0xb2: {  	s29 =	simm.s32 $0x9;
	_ =	strace $0x8000004B  }
0xb3: {  	_ =	swait.ge [sflag:s29], $0x1  }
0xb4: {  	[sflag:s29] =	ssyncadd.s32 $0xFFFFFFFF  }
0xb5: {  	_ =	strace $0x9000004B  }
0xb6: {  	_ =	sfence  }
0xb7: {  	s30 =	sld [smem:$0x0];
	_ =	sdelay $0x2  }
0xb8: {  	s31 =	sshll.u32 s1, $0xD;
	s1 =	sshrl.u32 s1, $0x2  }
0xb9: {  	s3 =	sand.u32 $0x4000, s31;
	s1 =	sadd.s32 s1, s30  }
0xba: {  	s0 =	sor.u32 s3, s0;
	s1 =	sshll.u32 s1, $0x11  }
0xbb: {  	s0 =	sor.u32 s1, s0  }
0xbc: {  	s0 =	sadd.s32 $0x8F2B, s0  }
0xbd: {  	[sflag:s0] =	ssyncadd.remote.s32 $0x1  }
0xbe: {  	_ =	sfence.sel $0xFFFF  }
0xbf: {  	[dreg:$0x0] =	wrdreg $0xFFFFFFFF;
	(pc) =	sbr.abs _section_cstart, $3  }
0xc0: {  	[dreg:$0x1] =	wrdreg $0xFFFFFFFF  }
0xc1: {  	_ =	task.clear_ibuf [dreg:s7], $0x2FFFF;
	_ =	strace $0x9FFFFFFF  }
0xc2: {  	(tm) =	ssettm $0x7FFFFFFF  }
0xc3: {  	_ =	shalt  }
tec
execute0_lowered:
.L_overlay_start_1:
0x0: {  	(tag) =	ssettag $0x1  }
0x1: {  	s5 =	rddreg [dreg:$0x0]  }
0x2: {  	s22 =	rddreg [dreg:$0x1];
	s2 =	srdreg.scid  }
0x3: {  	s0 =	rddreg [dreg:$0x2];
	s1 =	stileid.u32;
	s23 =	sand.u32 $0x1, s2  }
0x4: {  	s2 =	simm.s32 $0x0;
	s3 =	sshll.u32 s1, $0x8;
	s4 =	sshll.u32 s23, $0x7  }
0x5: {  	[smem:$0x7FF] =	sst s2;
	s24 =	sor.u32 s4, s3  }
0x6: {  	_ =	strace $0x8000004A;
	s3 =	simm.s32 $0x2;
	s4 =	sadd.s32 s5, s24  }
0x7: {  	[tilespmem:s2], [sflag:$0x2] =	stream.linear.gather [hbm4b:s4+s2], $0x400, $0x38;
	[tilespmem:$0x800] =	vst v63  }
0x8: {  	_ =	swait.ge [sflag:s3], $0x400  }
0x9: {  	s6 =	simm.s32 $0x80;
	[sflag:s3] =	ssyncset.done $0x0  }
0xa: {  	s7 =	simm.s32 $0x400;
	s5 =	sadd.s32 $0x1000, s5;
	[sflag:s3] =	ssyncadd.s32 $0xFFFFFC00  }
0xb: {  	[tilespmem:s7], [sflag:$0x1] =	stream.indirect.gather [hbm4b:s5+s6], $0x1, s2, s6, $0xb8;
	[tilespmem:$0x800] =	vst v63  }
0xc: {  	s8 =	simm.s32 $0x480  }
0xd: {  	[tilespmem:s8], [sflag:$0x1] =	stream.indirect.gather [hbm4b:s5+s6], $0x1, s6, s6, $0xb8;
	[tilespmem:$0x800] =	vst v63  }
0xe: {  	s9 =	simm.s32 $0x100;
	s10 =	simm.s32 $0x500  }
0xf: {  	[tilespmem:s10], [sflag:$0x1] =	stream.indirect.gather [hbm4b:s5+s6], $0x1, s9, s6, $0xb8;
	[tilespmem:$0x800] =	vst v63  }
0x10: {  	s11 =	simm.s32 $0x180;
	s12 =	simm.s32 $0x580  }
0x11: {  	[tilespmem:s12], [sflag:$0x1] =	stream.indirect.gather [hbm4b:s5+s6], $0x1, s11, s6, $0xb8;
	[tilespmem:$0x800] =	vst v63  }
0x12: {  	s13 =	simm.s32 $0x200;
	s14 =	simm.s32 $0x600  }
0x13: {  	[tilespmem:s14], [sflag:$0x1] =	stream.indirect.gather [hbm4b:s5+s6], $0x1, s13, s6, $0xb8;
	[tilespmem:$0x800] =	vst v63  }
0x14: {  	s15 =	simm.s32 $0x280;
	s16 =	simm.s32 $0x680  }
0x15: {  	[tilespmem:s16], [sflag:$0x1] =	stream.indirect.gather [hbm4b:s5+s6], $0x1, s15, s6, $0xb8;
	[tilespmem:$0x800] =	vst v63  }
0x16: {  	s17 =	simm.s32 $0x300;
	s18 =	simm.s32 $0x700  }
0x17: {  	[tilespmem:s18], [sflag:$0x1] =	stream.indirect.gather [hbm4b:s5+s6], $0x1, s17, s6, $0xb8;
	[tilespmem:$0x800] =	vst v63  }
0x18: {  	s19 =	simm.s32 $0x380;
	s20 =	simm.s32 $0x780;
	s21 =	simm.s32 $0x1  }
0x19: {  	[tilespmem:s20], [sflag:$0x1] =	stream.indirect.gather [hbm4b:s5+s6], $0x1, s19, s6, $0xb8;
	[tilespmem:$0x800] =	vst v63  }
0x1a: {  	_ =	swait.ge [sflag:s21], $0x80  }
0x1b: {  	[sflag:s21] =	ssyncset.done $0x0  }
0x1c: {  	[sflag:s21] =	ssyncadd.s32 $0xFFFFFF80  }
0x1d: {  	_ =	swait.ge [sflag:s21], $0x80  }
0x1e: {  	[sflag:s21] =	ssyncset.done $0x0  }
0x1f: {  	[sflag:s21] =	ssyncadd.s32 $0xFFFFFF80  }
0x20: {  	_ =	swait.ge [sflag:s21], $0x80  }
0x21: {  	[sflag:s21] =	ssyncset.done $0x0  }
0x22: {  	[sflag:s21] =	ssyncadd.s32 $0xFFFFFF80  }
0x23: {  	_ =	swait.ge [sflag:s21], $0x80  }
0x24: {  	[sflag:s21] =	ssyncset.done $0x0  }
0x25: {  	[sflag:s21] =	ssyncadd.s32 $0xFFFFFF80  }
0x26: {  	_ =	swait.ge [sflag:s21], $0x80  }
0x27: {  	[sflag:s21] =	ssyncset.done $0x0  }
0x28: {  	[sflag:s21] =	ssyncadd.s32 $0xFFFFFF80  }
0x29: {  	_ =	swait.ge [sflag:s21], $0x80  }
0x2a: {  	[sflag:s21] =	ssyncset.done $0x0  }
0x2b: {  	s23 =	ssub.s32 $0x2, s23;
	[sflag:s21] =	ssyncadd.s32 $0xFFFFFF80  }
0x2c: {  	s25 =	sshrl.u32 s23, $0x1;
	_ =	swait.ge [sflag:s21], $0x80  }
0x2d: {  	s23 =	ssub.s32 s23, s25;
	[sflag:s21] =	ssyncset.done $0x0  }
0x2e: {  	s23 =	smax.u32 s23, $0x1;
	[sflag:s21] =	ssyncadd.s32 $0xFFFFFF80  }
0x2f: {  	p0 =	sne.s32 s23, $0x1;
	_ =	swait.ge [sflag:s21], $0x80  }
.Ltmp0:
0x30: {  	[sflag:s21] =	ssyncset.done $0x0;
	(pc) =	sbr.rel @!p0 .LBB2_2-.Ltmp0, $4  }
0x31: {  	s22 =	sadd.s32 s22, s24;
	[sflag:s21] =	ssyncadd.s32 $0xFFFFFF80  }
0x32: {  	[hbm4b:s22+s2] =	stream.linear.scatter [tilespmem:s7], [sflag:$0x2], $0x400, $0x38;
	[tilespmem:$0x800] =	vst v63  }
0x33: {  	_ =	swait.ge [sflag:s3], $0x400  }
0x34: {  	s23 =	sadd.s32 $0xFFFFFFFF, s23;
	[sflag:s3] =	ssyncset.done $0x0  }
.LBB2_1:
0x35: {  	p0 =	sne.s32 s23, $0x1;
	s23 =	sadd.s32 $0xFFFFFFFF, s23;
	[sflag:s3] =	ssyncadd.s32 $0xFFFFFC00  }
0x36: {  	[tilespmem:s2], [sflag:$0x2] =	stream.linear.gather [hbm4b:s4+s2], $0x400, $0x38;
	[tilespmem:$0x800] =	vst v63  }
0x37: {  	_ =	swait.ge [sflag:s3], $0x400  }
0x38: {  	[sflag:s3] =	ssyncset.done $0x0  }
0x39: {  	[sflag:s3] =	ssyncadd.s32 $0xFFFFFC00  }
0x3a: {  	[tilespmem:s7], [sflag:$0x1] =	stream.indirect.gather [hbm4b:s5+s6], $0x1, s2, s6, $0xb8;
	[tilespmem:$0x800] =	vst v63  }
0x3b: {  	_ = 	snop  }
0x3c: {  	[tilespmem:s8], [sflag:$0x1] =	stream.indirect.gather [hbm4b:s5+s6], $0x1, s6, s6, $0xb8;
	[tilespmem:$0x800] =	vst v63  }
0x3d: {  	_ = 	snop  }
0x3e: {  	[tilespmem:s10], [sflag:$0x1] =	stream.indirect.gather [hbm4b:s5+s6], $0x1, s9, s6, $0xb8;
	[tilespmem:$0x800] =	vst v63  }
0x3f: {  	_ = 	snop  }
0x40: {  	[tilespmem:s12], [sflag:$0x1] =	stream.indirect.gather [hbm4b:s5+s6], $0x1, s11, s6, $0xb8;
	[tilespmem:$0x800] =	vst v63  }
0x41: {  	_ = 	snop  }
0x42: {  	[tilespmem:s14], [sflag:$0x1] =	stream.indirect.gather [hbm4b:s5+s6], $0x1, s13, s6, $0xb8;
	[tilespmem:$0x800] =	vst v63  }
0x43: {  	_ = 	snop  }
0x44: {  	[tilespmem:s16], [sflag:$0x1] =	stream.indirect.gather [hbm4b:s5+s6], $0x1, s15, s6, $0xb8;
	[tilespmem:$0x800] =	vst v63  }
0x45: {  	_ = 	snop  }
0x46: {  	[tilespmem:s18], [sflag:$0x1] =	stream.indirect.gather [hbm4b:s5+s6], $0x1, s17, s6, $0xb8;
	[tilespmem:$0x800] =	vst v63  }
0x47: {  	_ = 	snop  }
0x48: {  	[tilespmem:s20], [sflag:$0x1] =	stream.indirect.gather [hbm4b:s5+s6], $0x1, s19, s6, $0xb8;
	[tilespmem:$0x800] =	vst v63  }
0x49: {  	_ =	swait.ge [sflag:s21], $0x80  }
0x4a: {  	[sflag:s21] =	ssyncset.done $0x0  }
0x4b: {  	[sflag:s21] =	ssyncadd.s32 $0xFFFFFF80  }
0x4c: {  	_ =	swait.ge [sflag:s21], $0x80  }
0x4d: {  	[sflag:s21] =	ssyncset.done $0x0  }
0x4e: {  	[sflag:s21] =	ssyncadd.s32 $0xFFFFFF80  }
0x4f: {  	_ =	swait.ge [sflag:s21], $0x80  }
0x50: {  	[sflag:s21] =	ssyncset.done $0x0  }
0x51: {  	[sflag:s21] =	ssyncadd.s32 $0xFFFFFF80  }
0x52: {  	_ =	swait.ge [sflag:s21], $0x80  }
0x53: {  	[sflag:s21] =	ssyncset.done $0x0  }
0x54: {  	[sflag:s21] =	ssyncadd.s32 $0xFFFFFF80  }
0x55: {  	_ =	swait.ge [sflag:s21], $0x80  }
0x56: {  	[sflag:s21] =	ssyncset.done $0x0  }
0x57: {  	[sflag:s21] =	ssyncadd.s32 $0xFFFFFF80  }
0x58: {  	_ =	swait.ge [sflag:s21], $0x80  }
0x59: {  	[sflag:s21] =	ssyncset.done $0x0  }
0x5a: {  	[sflag:s21] =	ssyncadd.s32 $0xFFFFFF80  }
0x5b: {  	_ =	swait.ge [sflag:s21], $0x80  }
0x5c: {  	[sflag:s21] =	ssyncset.done $0x0  }
0x5d: {  	[sflag:s21] =	ssyncadd.s32 $0xFFFFFF80  }
0x5e: {  	_ =	swait.ge [sflag:s21], $0x80  }
.Ltmp1:
0x5f: {  	[sflag:s21] =	ssyncset.done $0x0;
	(pc) =	sbr.rel @p0 .LBB2_1-.Ltmp1, $4  }
0x60: {  	[sflag:s21] =	ssyncadd.s32 $0xFFFFFF80  }
0x61: {  	[hbm4b:s22+s2] =	stream.linear.scatter [tilespmem:s7], [sflag:$0x2], $0x400, $0x38;
	[tilespmem:$0x800] =	vst v63  }
0x62: {  	_ =	swait.ge [sflag:s3], $0x400  }
0x63: {  	[sflag:s3] =	ssyncset.done $0x0  }
.LBB2_2:
0x64: {  	[sflag:s3] =	ssyncadd.s32 $0xFFFFFC00  }
0x65: {  	_ =	sfence.sel $0x180000  }
0x66: {  	[bflag:$0x0] =	sbarrier.arrive $0xFFFF  }
0x67: {  	p0 =	sne.s32 s1, $0x0;
	_ =	strace $0x9000004A  }
0x68: {  	s0 =	sadd.s32 @!p0 $0x100000, s0;
	[bflag:$0x2] =	sbarrier.arrive $0xFFFF  }
0x69: {  	[sflag:s0] =	ssyncadd.tile.s32 @!p0 $0x1;
	_ =	shalt  }
.Lfunc_end2:
_tile_overlayer_lowered:
.L_overlay_start_2:
0x6a: {  	(tag) =	ssettag $0x2  }
0x6b: {  	s0 =	rddreg [dreg:$0x0];
	s2 =	stileid.u32  }
0x6c: {  	s1 =	rddreg [dreg:$0x1];
	p0 =	sne.s32 s2, $0x0  }
0x6d: {  	s3 =	rddreg [dreg:$0x2];
	[bflag:$0x3] =	sbarrier.arrive $0xFFFF;
	s2 =	simm.s32 @!p0 $0x1C02  }
0x6e: {  	[timem:s3], [sflag:s2] =	dma.local @!p0 [hbm:s0], s1  }
0x6f: {  	s0 =	simm.s32 @!p0 $0x2  }
0x70: {  	_ =	swait.ge @!p0 [sflag:s0], s1  }
0x71: {  	s1 =	ssub.s32 @!p0 $0x0, s1;
	[sflag:s0] =	ssyncset.done @!p0 $0x0  }
0x72: {  	[sflag:s0] =	ssyncadd.s32 @!p0 s1  }
0x73: {  	[bflag:$0x3] =	sbarrier.arrive $0xFFFF  }
0x74: {  	_ =	shalt  }

</sc_bundles>
